<compile_context>
chip_gen: v7x
topology: tpu7x:2x2x1
jax: 0.10.2.dev20260603
libtpu: 0.0.44.dev20260713+nightly
codegen_flags: <defaults>
</compile_context>

<pallas_src>
import jax
import jax.numpy as jnp
from jax import lax
from jax.experimental import pallas as pl
from jax.experimental.pallas import tpu as pltpu
from jax.experimental.pallas import tpu_sc as plsc

IMG = 14
P = IMG * IMG
D = 512
B = 8
TAU = 0.5 / P
BETA = 4.0
NC = 2
NS = 16
L = 16
NW = NC * NS
CPW = D // NW
NV = CPW // L


def _sc_body(x_hbm, out_hbm, xv, outv, sem_in, sem_out):
    wid = lax.axis_index("s") * NC + lax.axis_index("c")
    base = wid * CPW

    pltpu.async_copy(x_hbm.at[:, pl.ds(base, CPW)], xv, sem_in).wait()

    def amax_step(p, carry):
        maxs, idxs = carry
        idx = jnp.full((L,), p, jnp.int32)
        new_maxs, new_idxs = [], []
        for k in range(NV):
            v = xv[p, pl.ds(k * L, L)]
            pred = v > maxs[k]
            new_maxs.append(jnp.where(pred, v, maxs[k]))
            new_idxs.append(jnp.where(pred, idx, idxs[k]))
        return (tuple(new_maxs), tuple(new_idxs))

    init = (
        tuple(jnp.full((L,), -jnp.inf, jnp.float32) for _ in range(NV)),
        tuple(jnp.zeros((L,), jnp.int32) for _ in range(NV)),
    )
    _, mu = lax.fori_loop(0, P, amax_step, init, unroll=IMG)
    img_v = jnp.full((L,), IMG, jnp.int32)
    rows = [lax.div(mu[k], img_v).astype(jnp.float32) for k in range(NV)]
    cols = [lax.rem(mu[k], img_v).astype(jnp.float32) for k in range(NV)]

    def mask_row(i, _):
        i_f = jnp.full((L,), i, jnp.int32).astype(jnp.float32)
        dis = [jnp.abs(i_f - rows[k]) for k in range(NV)]

        def mask_col(j, _):
            j_f = jnp.full((L,), j, jnp.int32).astype(jnp.float32)
            p = i * IMG + j
            for k in range(NV):
                dist = dis[k] + jnp.abs(j_f - cols[k])
                m = TAU * jnp.maximum(1.0 - (BETA / IMG) * dist, -1.0)
                outv[p, pl.ds(k * L, L)] = xv[p, pl.ds(k * L, L)] * m
            return 0

        lax.fori_loop(0, IMG, mask_col, 0, unroll=IMG)
        return 0

    lax.fori_loop(0, IMG, mask_row, 0)

    pltpu.async_copy(outv, out_hbm.at[:, pl.ds(base, CPW)], sem_out).wait()


_sc_call = pl.kernel(
    _sc_body,
    out_type=jax.ShapeDtypeStruct((P, D), jnp.float32),
    mesh=plsc.VectorSubcoreMesh(core_axis_name="c", subcore_axis_name="s"),
    scratch_types=[
        pltpu.VMEM((P, CPW), jnp.float32),
        pltpu.VMEM((P, CPW), jnp.float32),
        pltpu.SemaphoreType.DMA,
        pltpu.SemaphoreType.DMA,
    ],
    compiler_params=pltpu.CompilerParams(use_tc_tiling_on_sc=False),
)


@jax.jit
def kernel(x):
    x0 = x[0].reshape(P, D)
    out0 = _sc_call(x0)
    out = jnp.zeros((B, P, D), dtype=x.dtype).at[0].set(out0)
    return out.reshape(B, IMG, IMG, D)

# --- scband reference (transcript-rebuilt; emitter-appended) ---
"""Pipeline reference for scband-old-mask-layer-70016556859456 (READ-ONLY COPY).

The authoritative reference and input builder live on the scoring server;
editing this copy changes nothing except your own understanding.
"""

import jax, jax.numpy as jnp
import numpy as np

IMG_SIZE = 14
DEPTH = 512
BATCH = 8
TAU = 0.5 / (IMG_SIZE * IMG_SIZE)
BETA = 4.0


def setup_inputs(seed: int = 0) -> dict:
    key = jax.random.key(seed)
    x = jax.random.normal(key, (BATCH, IMG_SIZE, IMG_SIZE, DEPTH), dtype=jnp.float32)
    return {"x": x}


def _masked_single(x0):
    # x0: (n, n, d). Faithful vectorization of the per-channel loops:
    # for each channel z, find argmax location (row-major flatten index as in
    # tf.argmax of reshape([-1,1])), build the L1-distance mask, multiply.
    n = IMG_SIZE
    d = DEPTH
    flat = x0.reshape(n * n, d)          # row-major flatten, same as tf.reshape
    mu = jnp.argmax(flat, axis=0)        # (d,) flatten index per channel
    row = (mu // n).astype(jnp.float32)  # i_max per channel
    col = (mu % n).astype(jnp.float32)   # j_max per channel
    ii = jnp.arange(n, dtype=jnp.float32)[:, None, None]
    jj = jnp.arange(n, dtype=jnp.float32)[None, :, None]
    dist = jnp.abs(ii - row[None, None, :]) + jnp.abs(jj - col[None, None, :])
    mask = TAU * jnp.maximum(1.0 - BETA * dist / n, -1.0)  # (n, n, d)
    return x0 * mask


def reference(x):
    # The original layer loops `for b in range(1)`, so only batch index 0 is
    # computed and written into the (8,14,14,512) zero-initialized variable;
    # the remaining batch slots stay zero. Reproduce that exactly.
    out0 = _masked_single(x[0])
    out = jnp.zeros((BATCH, IMG_SIZE, IMG_SIZE, DEPTH), dtype=x.dtype).at[0].set(out0)
    return out

if __name__ == "__main__":
    import jax
    _d = setup_inputs()
    print(jax.jit(kernel)(*tuple(_d.values())))

</pallas_src>

<mosaic_0001>
#map = affine_map<(d0, d1) -> (0, 0)>
module attributes {stable_mosaic.version = 14 : i64} {
  func.func @_sc_body(%arg0: i32, %arg1: i32, %arg2: memref<196x512xf32, #tpu.memory_space<hbm>>, %arg3: memref<196x512xf32, #tpu.memory_space<hbm>>, %arg4: memref<196x16xf32, #tpu.memory_space<vmem>>, %arg5: memref<196x16xf32, #tpu.memory_space<vmem>>, %arg6: memref<!tpu.dma_semaphore, #tpu.memory_space<semaphore_mem>>, %arg7: memref<!tpu.dma_semaphore, #tpu.memory_space<semaphore_mem>>) attributes {dimension_semantics = [#tpu.dimension_semantics<core_parallel>, #tpu.dimension_semantics<subcore_parallel>], iteration_bounds = array<i64: 2, 16>, scalar_prefetch = 0 : i64, scratch_operands = 4 : i64, tpu.core_type = #tpu.core_type<sc_vector_subcore>, window_params = [{transform_indices = #map}, {transform_indices = #map}]} {
    %mul3A = arith.constant 2 : i32
    %mul3A_0 = arith.muli %arg1, %mul3A : i32
    %add3A = arith.addi %mul3A_0, %arg0 : i32
    %mul3A_1 = arith.constant 16 : i32
    %mul3A_2 = arith.muli %add3A, %mul3A_1 : i32
    %dma_start3A = arith.constant 0 : i32
    %dma_start3A_3 = tpu.memref_slice %arg2[%dma_start3A, %mul3A_2] : memref<196x512xf32, #tpu.memory_space<hbm>> -> memref<196x16xf32, #tpu.memory_space<hbm>>
    %dma_start3A_4 = arith.constant 0 : i32
    %dma_start3A_5 = tpu.memref_slice %arg2[%dma_start3A_4, %mul3A_2] : memref<196x512xf32, #tpu.memory_space<hbm>> -> memref<196x16xf32, #tpu.memory_space<hbm>>
    tpu.enqueue_dma source(%dma_start3A_5 : memref<196x16xf32, #tpu.memory_space<hbm>>) target(%arg4 : memref<196x16xf32, #tpu.memory_space<vmem>>) target_semaphore(%arg6 : memref<!tpu.dma_semaphore, #tpu.memory_space<semaphore_mem>>)
    %dma_wait3A = arith.constant 0 : i32
    %dma_wait3A_6 = tpu.memref_slice %arg2[%dma_wait3A, %mul3A_2] : memref<196x512xf32, #tpu.memory_space<hbm>> -> memref<196x16xf32, #tpu.memory_space<hbm>>
    %dma_wait3A_7 = arith.constant 0 : i32
    %dma_wait3A_8 = tpu.memref_slice %arg2[%dma_wait3A_7, %mul3A_2] : memref<196x512xf32, #tpu.memory_space<hbm>> -> memref<196x16xf32, #tpu.memory_space<hbm>>
    tpu.wait_dma2 semaphore(%arg6 : memref<!tpu.dma_semaphore, #tpu.memory_space<semaphore_mem>>) src(%dma_wait3A_8 : memref<196x16xf32, #tpu.memory_space<hbm>>) dst(%arg4 : memref<196x16xf32, #tpu.memory_space<vmem>>)
    %broadcast_in_dim3A = arith.constant 0xFF800000 : f32
    %broadcast_in_dim3A_9 = vector.broadcast %broadcast_in_dim3A : f32 to vector<16xf32>
    %broadcast_in_dim3A_10 = arith.constant 0 : i32
    %broadcast_in_dim3A_11 = vector.broadcast %broadcast_in_dim3A_10 : i32 to vector<16xi32>
    %scan3A = arith.constant 0 : i32
    %scan3A_12 = arith.constant 196 : i32
    %scan3A_13 = arith.addi %scan3A, %scan3A_12 : i32
    %scan3A_14 = arith.constant 14 : i32
    %scan3A_15:2 = scf.for %scan3A_35 = %scan3A to %scan3A_13 step %scan3A_14 iter_args(%scan3A_36 = %broadcast_in_dim3A_9, %scan3A_37 = %broadcast_in_dim3A_11) -> (vector<16xf32>, vector<16xi32>)  : i32 {
      %broadcast_in_dim3A_38 = vector.broadcast %scan3A_35 : i32 to vector<16xi32>
      %get3A = arith.index_cast %scan3A_35 : i32 to index
      %get3A_39 = arith.constant 0 : index
      %get3A_40 = tpu.vector_load %arg4[%get3A, %get3A_39] {strides = array<i32>} : memref<196x16xf32, #tpu.memory_space<vmem>>, vector<1x16xf32>,
      %get3A_41 = vector.shape_cast %get3A_40 : vector<1x16xf32> to vector<16xf32>
      %gt3A = arith.cmpf ogt, %get3A_41, %scan3A_36 : vector<16xf32>
      %select_n3A = arith.select %gt3A, %get3A_41, %scan3A_36 : vector<16xi1>, vector<16xf32>
      %select_n3A_42 = arith.select %gt3A, %broadcast_in_dim3A_38, %scan3A_37 : vector<16xi1>, vector<16xi32>
      %scan3A_43 = arith.constant 1 : i32
      %scan3A_44 = arith.addi %scan3A_35, %scan3A_43 : i32
      %broadcast_in_dim3A_45 = vector.broadcast %scan3A_44 : i32 to vector<16xi32>
      %get3A_46 = arith.index_cast %scan3A_44 : i32 to index
      %get3A_47 = arith.constant 0 : index
      %get3A_48 = tpu.vector_load %arg4[%get3A_46, %get3A_47] {strides = array<i32>} : memref<196x16xf32, #tpu.memory_space<vmem>>, vector<1x16xf32>,
      %get3A_49 = vector.shape_cast %get3A_48 : vector<1x16xf32> to vector<16xf32>
      %gt3A_50 = arith.cmpf ogt, %get3A_49, %select_n3A : vector<16xf32>
      %select_n3A_51 = arith.select %gt3A_50, %get3A_49, %select_n3A : vector<16xi1>, vector<16xf32>
      %select_n3A_52 = arith.select %gt3A_50, %broadcast_in_dim3A_45, %select_n3A_42 : vector<16xi1>, vector<16xi32>
      %scan3A_53 = arith.constant 2 : i32
      %scan3A_54 = arith.addi %scan3A_35, %scan3A_53 : i32
      %broadcast_in_dim3A_55 = vector.broadcast %scan3A_54 : i32 to vector<16xi32>
      %get3A_56 = arith.index_cast %scan3A_54 : i32 to index
      %get3A_57 = arith.constant 0 : index
      %get3A_58 = tpu.vector_load %arg4[%get3A_56, %get3A_57] {strides = array<i32>} : memref<196x16xf32, #tpu.memory_space<vmem>>, vector<1x16xf32>,
      %get3A_59 = vector.shape_cast %get3A_58 : vector<1x16xf32> to vector<16xf32>
      %gt3A_60 = arith.cmpf ogt, %get3A_59, %select_n3A_51 : vector<16xf32>
      %select_n3A_61 = arith.select %gt3A_60, %get3A_59, %select_n3A_51 : vector<16xi1>, vector<16xf32>
      %select_n3A_62 = arith.select %gt3A_60, %broadcast_in_dim3A_55, %select_n3A_52 : vector<16xi1>, vector<16xi32>
      %scan3A_63 = arith.constant 3 : i32
      %scan3A_64 = arith.addi %scan3A_35, %scan3A_63 : i32
      %broadcast_in_dim3A_65 = vector.broadcast %scan3A_64 : i32 to vector<16xi32>
      %get3A_66 = arith.index_cast %scan3A_64 : i32 to index
      %get3A_67 = arith.constant 0 : index
      %get3A_68 = tpu.vector_load %arg4[%get3A_66, %get3A_67] {strides = array<i32>} : memref<196x16xf32, #tpu.memory_space<vmem>>, vector<1x16xf32>,
      %get3A_69 = vector.shape_cast %get3A_68 : vector<1x16xf32> to vector<16xf32>
      %gt3A_70 = arith.cmpf ogt, %get3A_69, %select_n3A_61 : vector<16xf32>
      %select_n3A_71 = arith.select %gt3A_70, %get3A_69, %select_n3A_61 : vector<16xi1>, vector<16xf32>
      %select_n3A_72 = arith.select %gt3A_70, %broadcast_in_dim3A_65, %select_n3A_62 : vector<16xi1>, vector<16xi32>
      %scan3A_73 = arith.constant 4 : i32
      %scan3A_74 = arith.addi %scan3A_35, %scan3A_73 : i32
      %broadcast_in_dim3A_75 = vector.broadcast %scan3A_74 : i32 to vector<16xi32>
      %get3A_76 = arith.index_cast %scan3A_74 : i32 to index
      %get3A_77 = arith.constant 0 : index
      %get3A_78 = tpu.vector_load %arg4[%get3A_76, %get3A_77] {strides = array<i32>} : memref<196x16xf32, #tpu.memory_space<vmem>>, vector<1x16xf32>,
      %get3A_79 = vector.shape_cast %get3A_78 : vector<1x16xf32> to vector<16xf32>
      %gt3A_80 = arith.cmpf ogt, %get3A_79, %select_n3A_71 : vector<16xf32>
      %select_n3A_81 = arith.select %gt3A_80, %get3A_79, %select_n3A_71 : vector<16xi1>, vector<16xf32>
      %select_n3A_82 = arith.select %gt3A_80, %broadcast_in_dim3A_75, %select_n3A_72 : vector<16xi1>, vector<16xi32>
      %scan3A_83 = arith.constant 5 : i32
      %scan3A_84 = arith.addi %scan3A_35, %scan3A_83 : i32
      %broadcast_in_dim3A_85 = vector.broadcast %scan3A_84 : i32 to vector<16xi32>
      %get3A_86 = arith.index_cast %scan3A_84 : i32 to index
      %get3A_87 = arith.constant 0 : index
      %get3A_88 = tpu.vector_load %arg4[%get3A_86, %get3A_87] {strides = array<i32>} : memref<196x16xf32, #tpu.memory_space<vmem>>, vector<1x16xf32>,
      %get3A_89 = vector.shape_cast %get3A_88 : vector<1x16xf32> to vector<16xf32>
      %gt3A_90 = arith.cmpf ogt, %get3A_89, %select_n3A_81 : vector<16xf32>
      %select_n3A_91 = arith.select %gt3A_90, %get3A_89, %select_n3A_81 : vector<16xi1>, vector<16xf32>
      %select_n3A_92 = arith.select %gt3A_90, %broadcast_in_dim3A_85, %select_n3A_82 : vector<16xi1>, vector<16xi32>
      %scan3A_93 = arith.constant 6 : i32
      %scan3A_94 = arith.addi %scan3A_35, %scan3A_93 : i32
      %broadcast_in_dim3A_95 = vector.broadcast %scan3A_94 : i32 to vector<16xi32>
      %get3A_96 = arith.index_cast %scan3A_94 : i32 to index
      %get3A_97 = arith.constant 0 : index
      %get3A_98 = tpu.vector_load %arg4[%get3A_96, %get3A_97] {strides = array<i32>} : memref<196x16xf32, #tpu.memory_space<vmem>>, vector<1x16xf32>,
      %get3A_99 = vector.shape_cast %get3A_98 : vector<1x16xf32> to vector<16xf32>
      %gt3A_100 = arith.cmpf ogt, %get3A_99, %select_n3A_91 : vector<16xf32>
      %select_n3A_101 = arith.select %gt3A_100, %get3A_99, %select_n3A_91 : vector<16xi1>, vector<16xf32>
      %select_n3A_102 = arith.select %gt3A_100, %broadcast_in_dim3A_95, %select_n3A_92 : vector<16xi1>, vector<16xi32>
      %scan3A_103 = arith.constant 7 : i32
      %scan3A_104 = arith.addi %scan3A_35, %scan3A_103 : i32
      %broadcast_in_dim3A_105 = vector.broadcast %scan3A_104 : i32 to vector<16xi32>
      %get3A_106 = arith.index_cast %scan3A_104 : i32 to index
      %get3A_107 = arith.constant 0 : index
      %get3A_108 = tpu.vector_load %arg4[%get3A_106, %get3A_107] {strides = array<i32>} : memref<196x16xf32, #tpu.memory_space<vmem>>, vector<1x16xf32>,
      %get3A_109 = vector.shape_cast %get3A_108 : vector<1x16xf32> to vector<16xf32>
      %gt3A_110 = arith.cmpf ogt, %get3A_109, %select_n3A_101 : vector<16xf32>
      %select_n3A_111 = arith.select %gt3A_110, %get3A_109, %select_n3A_101 : vector<16xi1>, vector<16xf32>
      %select_n3A_112 = arith.select %gt3A_110, %broadcast_in_dim3A_105, %select_n3A_102 : vector<16xi1>, vector<16xi32>
      %scan3A_113 = arith.constant 8 : i32
      %scan3A_114 = arith.addi %scan3A_35, %scan3A_113 : i32
      %broadcast_in_dim3A_115 = vector.broadcast %scan3A_114 : i32 to vector<16xi32>
      %get3A_116 = arith.index_cast %scan3A_114 : i32 to index
      %get3A_117 = arith.constant 0 : index
      %get3A_118 = tpu.vector_load %arg4[%get3A_116, %get3A_117] {strides = array<i32>} : memref<196x16xf32, #tpu.memory_space<vmem>>, vector<1x16xf32>,
      %get3A_119 = vector.shape_cast %get3A_118 : vector<1x16xf32> to vector<16xf32>
      %gt3A_120 = arith.cmpf ogt, %get3A_119, %select_n3A_111 : vector<16xf32>
      %select_n3A_121 = arith.select %gt3A_120, %get3A_119, %select_n3A_111 : vector<16xi1>, vector<16xf32>
      %select_n3A_122 = arith.select %gt3A_120, %broadcast_in_dim3A_115, %select_n3A_112 : vector<16xi1>, vector<16xi32>
      %scan3A_123 = arith.constant 9 : i32
      %scan3A_124 = arith.addi %scan3A_35, %scan3A_123 : i32
      %broadcast_in_dim3A_125 = vector.broadcast %scan3A_124 : i32 to vector<16xi32>
      %get3A_126 = arith.index_cast %scan3A_124 : i32 to index
      %get3A_127 = arith.constant 0 : index
      %get3A_128 = tpu.vector_load %arg4[%get3A_126, %get3A_127] {strides = array<i32>} : memref<196x16xf32, #tpu.memory_space<vmem>>, vector<1x16xf32>,
      %get3A_129 = vector.shape_cast %get3A_128 : vector<1x16xf32> to vector<16xf32>
      %gt3A_130 = arith.cmpf ogt, %get3A_129, %select_n3A_121 : vector<16xf32>
      %select_n3A_131 = arith.select %gt3A_130, %get3A_129, %select_n3A_121 : vector<16xi1>, vector<16xf32>
      %select_n3A_132 = arith.select %gt3A_130, %broadcast_in_dim3A_125, %select_n3A_122 : vector<16xi1>, vector<16xi32>
      %scan3A_133 = arith.constant 10 : i32
      %scan3A_134 = arith.addi %scan3A_35, %scan3A_133 : i32
      %broadcast_in_dim3A_135 = vector.broadcast %scan3A_134 : i32 to vector<16xi32>
      %get3A_136 = arith.index_cast %scan3A_134 : i32 to index
      %get3A_137 = arith.constant 0 : index
      %get3A_138 = tpu.vector_load %arg4[%get3A_136, %get3A_137] {strides = array<i32>} : memref<196x16xf32, #tpu.memory_space<vmem>>, vector<1x16xf32>,
      %get3A_139 = vector.shape_cast %get3A_138 : vector<1x16xf32> to vector<16xf32>
      %gt3A_140 = arith.cmpf ogt, %get3A_139, %select_n3A_131 : vector<16xf32>
      %select_n3A_141 = arith.select %gt3A_140, %get3A_139, %select_n3A_131 : vector<16xi1>, vector<16xf32>
      %select_n3A_142 = arith.select %gt3A_140, %broadcast_in_dim3A_135, %select_n3A_132 : vector<16xi1>, vector<16xi32>
      %scan3A_143 = arith.constant 11 : i32
      %scan3A_144 = arith.addi %scan3A_35, %scan3A_143 : i32
      %broadcast_in_dim3A_145 = vector.broadcast %scan3A_144 : i32 to vector<16xi32>
      %get3A_146 = arith.index_cast %scan3A_144 : i32 to index
      %get3A_147 = arith.constant 0 : index
      %get3A_148 = tpu.vector_load %arg4[%get3A_146, %get3A_147] {strides = array<i32>} : memref<196x16xf32, #tpu.memory_space<vmem>>, vector<1x16xf32>,
      %get3A_149 = vector.shape_cast %get3A_148 : vector<1x16xf32> to vector<16xf32>
      %gt3A_150 = arith.cmpf ogt, %get3A_149, %select_n3A_141 : vector<16xf32>
      %select_n3A_151 = arith.select %gt3A_150, %get3A_149, %select_n3A_141 : vector<16xi1>, vector<16xf32>
      %select_n3A_152 = arith.select %gt3A_150, %broadcast_in_dim3A_145, %select_n3A_142 : vector<16xi1>, vector<16xi32>
      %scan3A_153 = arith.constant 12 : i32
      %scan3A_154 = arith.addi %scan3A_35, %scan3A_153 : i32
      %broadcast_in_dim3A_155 = vector.broadcast %scan3A_154 : i32 to vector<16xi32>
      %get3A_156 = arith.index_cast %scan3A_154 : i32 to index
      %get3A_157 = arith.constant 0 : index
      %get3A_158 = tpu.vector_load %arg4[%get3A_156, %get3A_157] {strides = array<i32>} : memref<196x16xf32, #tpu.memory_space<vmem>>, vector<1x16xf32>,
      %get3A_159 = vector.shape_cast %get3A_158 : vector<1x16xf32> to vector<16xf32>
      %gt3A_160 = arith.cmpf ogt, %get3A_159, %select_n3A_151 : vector<16xf32>
      %select_n3A_161 = arith.select %gt3A_160, %get3A_159, %select_n3A_151 : vector<16xi1>, vector<16xf32>
      %select_n3A_162 = arith.select %gt3A_160, %broadcast_in_dim3A_155, %select_n3A_152 : vector<16xi1>, vector<16xi32>
      %scan3A_163 = arith.constant 13 : i32
      %scan3A_164 = arith.addi %scan3A_35, %scan3A_163 : i32
      %broadcast_in_dim3A_165 = vector.broadcast %scan3A_164 : i32 to vector<16xi32>
      %get3A_166 = arith.index_cast %scan3A_164 : i32 to index
      %get3A_167 = arith.constant 0 : index
      %get3A_168 = tpu.vector_load %arg4[%get3A_166, %get3A_167] {strides = array<i32>} : memref<196x16xf32, #tpu.memory_space<vmem>>, vector<1x16xf32>,
      %get3A_169 = vector.shape_cast %get3A_168 : vector<1x16xf32> to vector<16xf32>
      %gt3A_170 = arith.cmpf ogt, %get3A_169, %select_n3A_161 : vector<16xf32>
      %select_n3A_171 = arith.select %gt3A_170, %get3A_169, %select_n3A_161 : vector<16xi1>, vector<16xf32>
      %select_n3A_172 = arith.select %gt3A_170, %broadcast_in_dim3A_165, %select_n3A_162 : vector<16xi1>, vector<16xi32>
      scf.yield %select_n3A_171, %select_n3A_172 : vector<16xf32>, vector<16xi32>
    }
    %scan3A_16 = arith.constant 196 : i32
    %broadcast_in_dim3A_17 = arith.constant 14 : i32
    %broadcast_in_dim3A_18 = vector.broadcast %broadcast_in_dim3A_17 : i32 to vector<16xi32>
    %div3A = arith.divsi %scan3A_15#1, %broadcast_in_dim3A_18 : vector<16xi32>
    %convert_element_type3A = arith.sitofp %div3A : vector<16xi32> to vector<16xf32>
    %rem3A = arith.remsi %scan3A_15#1, %broadcast_in_dim3A_18 : vector<16xi32>
    %convert_element_type3A_19 = arith.sitofp %rem3A : vector<16xi32> to vector<16xf32>
    %scan3A_20 = arith.constant 0 : i32
    %scan3A_21 = arith.constant 0 : i32
    %scan3A_22 = arith.constant 14 : i32
    %scan3A_23 = arith.addi %scan3A_21, %scan3A_22 : i32
    %scan3A_24 = arith.constant 1 : i32
    %scan3A_25 = scf.for %scan3A_35 = %scan3A_21 to %scan3A_23 step %scan3A_24 iter_args(%scan3A_36 = %scan3A_20) -> (i32)  : i32 {
      %broadcast_in_dim3A_37 = vector.broadcast %scan3A_35 : i32 to vector<16xi32>
      %convert_element_type3A_38 = arith.sitofp %broadcast_in_dim3A_37 : vector<16xi32> to vector<16xf32>
      %sub3A = arith.subf %convert_element_type3A_38, %convert_element_type3A : vector<16xf32>
      %abs3A = math.absf %sub3A : vector<16xf32>
      %scan3A_39 = arith.constant 0 : i32
      %scan3A_40 = arith.constant 0 : i32
      %broadcast_in_dim3A_41 = vector.broadcast %scan3A_40 : i32 to vector<16xi32>
      %convert_element_type3A_42 = arith.sitofp %broadcast_in_dim3A_41 : vector<16xi32> to vector<16xf32>
      %mul3A_43 = arith.constant 14 : i32
      %mul3A_44 = arith.muli %scan3A_35, %mul3A_43 : i32
      %add3A_45 = arith.addi %mul3A_44, %scan3A_40 : i32
      %sub3A_46 = arith.subf %convert_element_type3A_42, %convert_element_type3A_19 : vector<16xf32>
      %abs3A_47 = math.absf %sub3A_46 : vector<16xf32>
      %add3A_48 = arith.addf %abs3A, %abs3A_47 : vector<16xf32>
      %mul3A_49 = arith.constant 0.285714298 : f32
      %mul3A_50 = vector.broadcast %mul3A_49 : f32 to vector<16xf32>
      %mul3A_51 = arith.mulf %mul3A_50, %add3A_48 : vector<16xf32>
      %sub3A_52 = arith.constant 1.000000e+00 : f32
      %sub3A_53 = vector.broadcast %sub3A_52 : f32 to vector<16xf32>
      %sub3A_54 = arith.subf %sub3A_53, %mul3A_51 : vector<16xf32>
      %max3A = arith.constant -1.000000e+00 : f32
      %max3A_55 = vector.broadcast %max3A : f32 to vector<16xf32>
      %max3A_56 = arith.maximumf %sub3A_54, %max3A_55 : vector<16xf32>
      %mul3A_57 = arith.constant 0.00255102036 : f32
      %mul3A_58 = vector.broadcast %mul3A_57 : f32 to vector<16xf32>
      %mul3A_59 = arith.mulf %mul3A_58, %max3A_56 : vector<16xf32>
      %get3A = arith.index_cast %add3A_45 : i32 to index
      %get3A_60 = arith.constant 0 : index
      %get3A_61 = tpu.vector_load %arg4[%get3A, %get3A_60] {strides = array<i32>} : memref<196x16xf32, #tpu.memory_space<vmem>>, vector<1x16xf32>,
      %get3A_62 = vector.shape_cast %get3A_61 : vector<1x16xf32> to vector<16xf32>
      %mul3A_63 = arith.mulf %get3A_62, %mul3A_59 : vector<16xf32>
      %swap3A = arith.index_cast %add3A_45 : i32 to index
      %swap3A_64 = arith.constant 0 : index
      %swap3A_65 = tpu.vector_load %arg5[%swap3A, %swap3A_64] {strides = array<i32>} : memref<196x16xf32, #tpu.memory_space<vmem>>, vector<1x16xf32>,
      %swap3A_66 = vector.shape_cast %swap3A_65 : vector<1x16xf32> to vector<16xf32>
      %swap3A_67 = vector.shape_cast %mul3A_63 : vector<16xf32> to vector<1x16xf32>
      tpu.vector_store %arg5[%swap3A, %swap3A_64], %swap3A_67 {strides = array<i32>} : memref<196x16xf32, #tpu.memory_space<vmem>>, vector<1x16xf32>,
      %scan3A_68 = arith.constant 0 : i32
      %scan3A_69 = arith.constant 1 : i32
      %broadcast_in_dim3A_70 = vector.broadcast %scan3A_69 : i32 to vector<16xi32>
      %convert_element_type3A_71 = arith.sitofp %broadcast_in_dim3A_70 : vector<16xi32> to vector<16xf32>
      %mul3A_72 = arith.constant 14 : i32
      %mul3A_73 = arith.muli %scan3A_35, %mul3A_72 : i32
      %add3A_74 = arith.addi %mul3A_73, %scan3A_69 : i32
      %sub3A_75 = arith.subf %convert_element_type3A_71, %convert_element_type3A_19 : vector<16xf32>
      %abs3A_76 = math.absf %sub3A_75 : vector<16xf32>
      %add3A_77 = arith.addf %abs3A, %abs3A_76 : vector<16xf32>
      %mul3A_78 = arith.constant 0.285714298 : f32
      %mul3A_79 = vector.broadcast %mul3A_78 : f32 to vector<16xf32>
      %mul3A_80 = arith.mulf %mul3A_79, %add3A_77 : vector<16xf32>
      %sub3A_81 = arith.constant 1.000000e+00 : f32
      %sub3A_82 = vector.broadcast %sub3A_81 : f32 to vector<16xf32>
      %sub3A_83 = arith.subf %sub3A_82, %mul3A_80 : vector<16xf32>
      %max3A_84 = arith.constant -1.000000e+00 : f32
      %max3A_85 = vector.broadcast %max3A_84 : f32 to vector<16xf32>
      %max3A_86 = arith.maximumf %sub3A_83, %max3A_85 : vector<16xf32>
      %mul3A_87 = arith.constant 0.00255102036 : f32
      %mul3A_88 = vector.broadcast %mul3A_87 : f32 to vector<16xf32>
      %mul3A_89 = arith.mulf %mul3A_88, %max3A_86 : vector<16xf32>
      %get3A_90 = arith.index_cast %add3A_74 : i32 to index
      %get3A_91 = arith.constant 0 : index
      %get3A_92 = tpu.vector_load %arg4[%get3A_90, %get3A_91] {strides = array<i32>} : memref<196x16xf32, #tpu.memory_space<vmem>>, vector<1x16xf32>,
      %get3A_93 = vector.shape_cast %get3A_92 : vector<1x16xf32> to vector<16xf32>
      %mul3A_94 = arith.mulf %get3A_93, %mul3A_89 : vector<16xf32>
      %swap3A_95 = arith.index_cast %add3A_74 : i32 to index
      %swap3A_96 = arith.constant 0 : index
      %swap3A_97 = tpu.vector_load %arg5[%swap3A_95, %swap3A_96] {strides = array<i32>} : memref<196x16xf32, #tpu.memory_space<vmem>>, vector<1x16xf32>,
      %swap3A_98 = vector.shape_cast %swap3A_97 : vector<1x16xf32> to vector<16xf32>
      %swap3A_99 = vector.shape_cast %mul3A_94 : vector<16xf32> to vector<1x16xf32>
      tpu.vector_store %arg5[%swap3A_95, %swap3A_96], %swap3A_99 {strides = array<i32>} : memref<196x16xf32, #tpu.memory_space<vmem>>, vector<1x16xf32>,
      %scan3A_100 = arith.constant 0 : i32
      %scan3A_101 = arith.constant 2 : i32
      %broadcast_in_dim3A_102 = vector.broadcast %scan3A_101 : i32 to vector<16xi32>
      %convert_element_type3A_103 = arith.sitofp %broadcast_in_dim3A_102 : vector<16xi32> to vector<16xf32>
      %mul3A_104 = arith.constant 14 : i32
      %mul3A_105 = arith.muli %scan3A_35, %mul3A_104 : i32
      %add3A_106 = arith.addi %mul3A_105, %scan3A_101 : i32
      %sub3A_107 = arith.subf %convert_element_type3A_103, %convert_element_type3A_19 : vector<16xf32>
      %abs3A_108 = math.absf %sub3A_107 : vector<16xf32>
      %add3A_109 = arith.addf %abs3A, %abs3A_108 : vector<16xf32>
      %mul3A_110 = arith.constant 0.285714298 : f32
      %mul3A_111 = vector.broadcast %mul3A_110 : f32 to vector<16xf32>
      %mul3A_112 = arith.mulf %mul3A_111, %add3A_109 : vector<16xf32>
      %sub3A_113 = arith.constant 1.000000e+00 : f32
      %sub3A_114 = vector.broadcast %sub3A_113 : f32 to vector<16xf32>
      %sub3A_115 = arith.subf %sub3A_114, %mul3A_112 : vector<16xf32>
      %max3A_116 = arith.constant -1.000000e+00 : f32
      %max3A_117 = vector.broadcast %max3A_116 : f32 to vector<16xf32>
      %max3A_118 = arith.maximumf %sub3A_115, %max3A_117 : vector<16xf32>
      %mul3A_119 = arith.constant 0.00255102036 : f32
      %mul3A_120 = vector.broadcast %mul3A_119 : f32 to vector<16xf32>
      %mul3A_121 = arith.mulf %mul3A_120, %max3A_118 : vector<16xf32>
      %get3A_122 = arith.index_cast %add3A_106 : i32 to index
      %get3A_123 = arith.constant 0 : index
      %get3A_124 = tpu.vector_load %arg4[%get3A_122, %get3A_123] {strides = array<i32>} : memref<196x16xf32, #tpu.memory_space<vmem>>, vector<1x16xf32>,
      %get3A_125 = vector.shape_cast %get3A_124 : vector<1x16xf32> to vector<16xf32>
      %mul3A_126 = arith.mulf %get3A_125, %mul3A_121 : vector<16xf32>
      %swap3A_127 = arith.index_cast %add3A_106 : i32 to index
      %swap3A_128 = arith.constant 0 : index
      %swap3A_129 = tpu.vector_load %arg5[%swap3A_127, %swap3A_128] {strides = array<i32>} : memref<196x16xf32, #tpu.memory_space<vmem>>, vector<1x16xf32>,
      %swap3A_130 = vector.shape_cast %swap3A_129 : vector<1x16xf32> to vector<16xf32>
      %swap3A_131 = vector.shape_cast %mul3A_126 : vector<16xf32> to vector<1x16xf32>
      tpu.vector_store %arg5[%swap3A_127, %swap3A_128], %swap3A_131 {strides = array<i32>} : memref<196x16xf32, #tpu.memory_space<vmem>>, vector<1x16xf32>,
      %scan3A_132 = arith.constant 0 : i32
      %scan3A_133 = arith.constant 3 : i32
      %broadcast_in_dim3A_134 = vector.broadcast %scan3A_133 : i32 to vector<16xi32>
      %convert_element_type3A_135 = arith.sitofp %broadcast_in_dim3A_134 : vector<16xi32> to vector<16xf32>
      %mul3A_136 = arith.constant 14 : i32
      %mul3A_137 = arith.muli %scan3A_35, %mul3A_136 : i32
      %add3A_138 = arith.addi %mul3A_137, %scan3A_133 : i32
      %sub3A_139 = arith.subf %convert_element_type3A_135, %convert_element_type3A_19 : vector<16xf32>
      %abs3A_140 = math.absf %sub3A_139 : vector<16xf32>
      %add3A_141 = arith.addf %abs3A, %abs3A_140 : vector<16xf32>
      %mul3A_142 = arith.constant 0.285714298 : f32
      %mul3A_143 = vector.broadcast %mul3A_142 : f32 to vector<16xf32>
      %mul3A_144 = arith.mulf %mul3A_143, %add3A_141 : vector<16xf32>
      %sub3A_145 = arith.constant 1.000000e+00 : f32
      %sub3A_146 = vector.broadcast %sub3A_145 : f32 to vector<16xf32>
      %sub3A_147 = arith.subf %sub3A_146, %mul3A_144 : vector<16xf32>
      %max3A_148 = arith.constant -1.000000e+00 : f32
      %max3A_149 = vector.broadcast %max3A_148 : f32 to vector<16xf32>
      %max3A_150 = arith.maximumf %sub3A_147, %max3A_149 : vector<16xf32>
      %mul3A_151 = arith.constant 0.00255102036 : f32
      %mul3A_152 = vector.broadcast %mul3A_151 : f32 to vector<16xf32>
      %mul3A_153 = arith.mulf %mul3A_152, %max3A_150 : vector<16xf32>
      %get3A_154 = arith.index_cast %add3A_138 : i32 to index
      %get3A_155 = arith.constant 0 : index
      %get3A_156 = tpu.vector_load %arg4[%get3A_154, %get3A_155] {strides = array<i32>} : memref<196x16xf32, #tpu.memory_space<vmem>>, vector<1x16xf32>,
      %get3A_157 = vector.shape_cast %get3A_156 : vector<1x16xf32> to vector<16xf32>
      %mul3A_158 = arith.mulf %get3A_157, %mul3A_153 : vector<16xf32>
      %swap3A_159 = arith.index_cast %add3A_138 : i32 to index
      %swap3A_160 = arith.constant 0 : index
      %swap3A_161 = tpu.vector_load %arg5[%swap3A_159, %swap3A_160] {strides = array<i32>} : memref<196x16xf32, #tpu.memory_space<vmem>>, vector<1x16xf32>,
      %swap3A_162 = vector.shape_cast %swap3A_161 : vector<1x16xf32> to vector<16xf32>
      %swap3A_163 = vector.shape_cast %mul3A_158 : vector<16xf32> to vector<1x16xf32>
      tpu.vector_store %arg5[%swap3A_159, %swap3A_160], %swap3A_163 {strides = array<i32>} : memref<196x16xf32, #tpu.memory_space<vmem>>, vector<1x16xf32>,
      %scan3A_164 = arith.constant 0 : i32
      %scan3A_165 = arith.constant 4 : i32
      %broadcast_in_dim3A_166 = vector.broadcast %scan3A_165 : i32 to vector<16xi32>
      %convert_element_type3A_167 = arith.sitofp %broadcast_in_dim3A_166 : vector<16xi32> to vector<16xf32>
      %mul3A_168 = arith.constant 14 : i32
      %mul3A_169 = arith.muli %scan3A_35, %mul3A_168 : i32
      %add3A_170 = arith.addi %mul3A_169, %scan3A_165 : i32
      %sub3A_171 = arith.subf %convert_element_type3A_167, %convert_element_type3A_19 : vector<16xf32>
      %abs3A_172 = math.absf %sub3A_171 : vector<16xf32>
      %add3A_173 = arith.addf %abs3A, %abs3A_172 : vector<16xf32>
      %mul3A_174 = arith.constant 0.285714298 : f32
      %mul3A_175 = vector.broadcast %mul3A_174 : f32 to vector<16xf32>
      %mul3A_176 = arith.mulf %mul3A_175, %add3A_173 : vector<16xf32>
      %sub3A_177 = arith.constant 1.000000e+00 : f32
      %sub3A_178 = vector.broadcast %sub3A_177 : f32 to vector<16xf32>
      %sub3A_179 = arith.subf %sub3A_178, %mul3A_176 : vector<16xf32>
      %max3A_180 = arith.constant -1.000000e+00 : f32
      %max3A_181 = vector.broadcast %max3A_180 : f32 to vector<16xf32>
      %max3A_182 = arith.maximumf %sub3A_179, %max3A_181 : vector<16xf32>
      %mul3A_183 = arith.constant 0.00255102036 : f32
      %mul3A_184 = vector.broadcast %mul3A_183 : f32 to vector<16xf32>
      %mul3A_185 = arith.mulf %mul3A_184, %max3A_182 : vector<16xf32>
      %get3A_186 = arith.index_cast %add3A_170 : i32 to index
      %get3A_187 = arith.constant 0 : index
      %get3A_188 = tpu.vector_load %arg4[%get3A_186, %get3A_187] {strides = array<i32>} : memref<196x16xf32, #tpu.memory_space<vmem>>, vector<1x16xf32>,
      %get3A_189 = vector.shape_cast %get3A_188 : vector<1x16xf32> to vector<16xf32>
      %mul3A_190 = arith.mulf %get3A_189, %mul3A_185 : vector<16xf32>
      %swap3A_191 = arith.index_cast %add3A_170 : i32 to index
      %swap3A_192 = arith.constant 0 : index
      %swap3A_193 = tpu.vector_load %arg5[%swap3A_191, %swap3A_192] {strides = array<i32>} : memref<196x16xf32, #tpu.memory_space<vmem>>, vector<1x16xf32>,
      %swap3A_194 = vector.shape_cast %swap3A_193 : vector<1x16xf32> to vector<16xf32>
      %swap3A_195 = vector.shape_cast %mul3A_190 : vector<16xf32> to vector<1x16xf32>
      tpu.vector_store %arg5[%swap3A_191, %swap3A_192], %swap3A_195 {strides = array<i32>} : memref<196x16xf32, #tpu.memory_space<vmem>>, vector<1x16xf32>,
      %scan3A_196 = arith.constant 0 : i32
      %scan3A_197 = arith.constant 5 : i32
      %broadcast_in_dim3A_198 = vector.broadcast %scan3A_197 : i32 to vector<16xi32>
      %convert_element_type3A_199 = arith.sitofp %broadcast_in_dim3A_198 : vector<16xi32> to vector<16xf32>
      %mul3A_200 = arith.constant 14 : i32
      %mul3A_201 = arith.muli %scan3A_35, %mul3A_200 : i32
      %add3A_202 = arith.addi %mul3A_201, %scan3A_197 : i32
      %sub3A_203 = arith.subf %convert_element_type3A_199, %convert_element_type3A_19 : vector<16xf32>
      %abs3A_204 = math.absf %sub3A_203 : vector<16xf32>
      %add3A_205 = arith.addf %abs3A, %abs3A_204 : vector<16xf32>
      %mul3A_206 = arith.constant 0.285714298 : f32
      %mul3A_207 = vector.broadcast %mul3A_206 : f32 to vector<16xf32>
      %mul3A_208 = arith.mulf %mul3A_207, %add3A_205 : vector<16xf32>
      %sub3A_209 = arith.constant 1.000000e+00 : f32
      %sub3A_210 = vector.broadcast %sub3A_209 : f32 to vector<16xf32>
      %sub3A_211 = arith.subf %sub3A_210, %mul3A_208 : vector<16xf32>
      %max3A_212 = arith.constant -1.000000e+00 : f32
      %max3A_213 = vector.broadcast %max3A_212 : f32 to vector<16xf32>
      %max3A_214 = arith.maximumf %sub3A_211, %max3A_213 : vector<16xf32>
      %mul3A_215 = arith.constant 0.00255102036 : f32
      %mul3A_216 = vector.broadcast %mul3A_215 : f32 to vector<16xf32>
      %mul3A_217 = arith.mulf %mul3A_216, %max3A_214 : vector<16xf32>
      %get3A_218 = arith.index_cast %add3A_202 : i32 to index
      %get3A_219 = arith.constant 0 : index
      %get3A_220 = tpu.vector_load %arg4[%get3A_218, %get3A_219] {strides = array<i32>} : memref<196x16xf32, #tpu.memory_space<vmem>>, vector<1x16xf32>,
      %get3A_221 = vector.shape_cast %get3A_220 : vector<1x16xf32> to vector<16xf32>
      %mul3A_222 = arith.mulf %get3A_221, %mul3A_217 : vector<16xf32>
      %swap3A_223 = arith.index_cast %add3A_202 : i32 to index
      %swap3A_224 = arith.constant 0 : index
      %swap3A_225 = tpu.vector_load %arg5[%swap3A_223, %swap3A_224] {strides = array<i32>} : memref<196x16xf32, #tpu.memory_space<vmem>>, vector<1x16xf32>,
      %swap3A_226 = vector.shape_cast %swap3A_225 : vector<1x16xf32> to vector<16xf32>
      %swap3A_227 = vector.shape_cast %mul3A_222 : vector<16xf32> to vector<1x16xf32>
      tpu.vector_store %arg5[%swap3A_223, %swap3A_224], %swap3A_227 {strides = array<i32>} : memref<196x16xf32, #tpu.memory_space<vmem>>, vector<1x16xf32>,
      %scan3A_228 = arith.constant 0 : i32
      %scan3A_229 = arith.constant 6 : i32
      %broadcast_in_dim3A_230 = vector.broadcast %scan3A_229 : i32 to vector<16xi32>
      %convert_element_type3A_231 = arith.sitofp %broadcast_in_dim3A_230 : vector<16xi32> to vector<16xf32>
      %mul3A_232 = arith.constant 14 : i32
      %mul3A_233 = arith.muli %scan3A_35, %mul3A_232 : i32
      %add3A_234 = arith.addi %mul3A_233, %scan3A_229 : i32
      %sub3A_235 = arith.subf %convert_element_type3A_231, %convert_element_type3A_19 : vector<16xf32>
      %abs3A_236 = math.absf %sub3A_235 : vector<16xf32>
      %add3A_237 = arith.addf %abs3A, %abs3A_236 : vector<16xf32>
      %mul3A_238 = arith.constant 0.285714298 : f32
      %mul3A_239 = vector.broadcast %mul3A_238 : f32 to vector<16xf32>
      %mul3A_240 = arith.mulf %mul3A_239, %add3A_237 : vector<16xf32>
      %sub3A_241 = arith.constant 1.000000e+00 : f32
      %sub3A_242 = vector.broadcast %sub3A_241 : f32 to vector<16xf32>
      %sub3A_243 = arith.subf %sub3A_242, %mul3A_240 : vector<16xf32>
      %max3A_244 = arith.constant -1.000000e+00 : f32
      %max3A_245 = vector.broadcast %max3A_244 : f32 to vector<16xf32>
      %max3A_246 = arith.maximumf %sub3A_243, %max3A_245 : vector<16xf32>
      %mul3A_247 = arith.constant 0.00255102036 : f32
      %mul3A_248 = vector.broadcast %mul3A_247 : f32 to vector<16xf32>
      %mul3A_249 = arith.mulf %mul3A_248, %max3A_246 : vector<16xf32>
      %get3A_250 = arith.index_cast %add3A_234 : i32 to index
      %get3A_251 = arith.constant 0 : index
      %get3A_252 = tpu.vector_load %arg4[%get3A_250, %get3A_251] {strides = array<i32>} : memref<196x16xf32, #tpu.memory_space<vmem>>, vector<1x16xf32>,
      %get3A_253 = vector.shape_cast %get3A_252 : vector<1x16xf32> to vector<16xf32>
      %mul3A_254 = arith.mulf %get3A_253, %mul3A_249 : vector<16xf32>
      %swap3A_255 = arith.index_cast %add3A_234 : i32 to index
      %swap3A_256 = arith.constant 0 : index
      %swap3A_257 = tpu.vector_load %arg5[%swap3A_255, %swap3A_256] {strides = array<i32>} : memref<196x16xf32, #tpu.memory_space<vmem>>, vector<1x16xf32>,
      %swap3A_258 = vector.shape_cast %swap3A_257 : vector<1x16xf32> to vector<16xf32>
      %swap3A_259 = vector.shape_cast %mul3A_254 : vector<16xf32> to vector<1x16xf32>
      tpu.vector_store %arg5[%swap3A_255, %swap3A_256], %swap3A_259 {strides = array<i32>} : memref<196x16xf32, #tpu.memory_space<vmem>>, vector<1x16xf32>,
      %scan3A_260 = arith.constant 0 : i32
      %scan3A_261 = arith.constant 7 : i32
      %broadcast_in_dim3A_262 = vector.broadcast %scan3A_261 : i32 to vector<16xi32>
      %convert_element_type3A_263 = arith.sitofp %broadcast_in_dim3A_262 : vector<16xi32> to vector<16xf32>
      %mul3A_264 = arith.constant 14 : i32
      %mul3A_265 = arith.muli %scan3A_35, %mul3A_264 : i32
      %add3A_266 = arith.addi %mul3A_265, %scan3A_261 : i32
      %sub3A_267 = arith.subf %convert_element_type3A_263, %convert_element_type3A_19 : vector<16xf32>
      %abs3A_268 = math.absf %sub3A_267 : vector<16xf32>
      %add3A_269 = arith.addf %abs3A, %abs3A_268 : vector<16xf32>
      %mul3A_270 = arith.constant 0.285714298 : f32
      %mul3A_271 = vector.broadcast %mul3A_270 : f32 to vector<16xf32>
      %mul3A_272 = arith.mulf %mul3A_271, %add3A_269 : vector<16xf32>
      %sub3A_273 = arith.constant 1.000000e+00 : f32
      %sub3A_274 = vector.broadcast %sub3A_273 : f32 to vector<16xf32>
      %sub3A_275 = arith.subf %sub3A_274, %mul3A_272 : vector<16xf32>
      %max3A_276 = arith.constant -1.000000e+00 : f32
      %max3A_277 = vector.broadcast %max3A_276 : f32 to vector<16xf32>
      %max3A_278 = arith.maximumf %sub3A_275, %max3A_277 : vector<16xf32>
      %mul3A_279 = arith.constant 0.00255102036 : f32
      %mul3A_280 = vector.broadcast %mul3A_279 : f32 to vector<16xf32>
      %mul3A_281 = arith.mulf %mul3A_280, %max3A_278 : vector<16xf32>
      %get3A_282 = arith.index_cast %add3A_266 : i32 to index
      %get3A_283 = arith.constant 0 : index
      %get3A_284 = tpu.vector_load %arg4[%get3A_282, %get3A_283] {strides = array<i32>} : memref<196x16xf32, #tpu.memory_space<vmem>>, vector<1x16xf32>,
      %get3A_285 = vector.shape_cast %get3A_284 : vector<1x16xf32> to vector<16xf32>
      %mul3A_286 = arith.mulf %get3A_285, %mul3A_281 : vector<16xf32>
      %swap3A_287 = arith.index_cast %add3A_266 : i32 to index
      %swap3A_288 = arith.constant 0 : index
      %swap3A_289 = tpu.vector_load %arg5[%swap3A_287, %swap3A_288] {strides = array<i32>} : memref<196x16xf32, #tpu.memory_space<vmem>>, vector<1x16xf32>,
      %swap3A_290 = vector.shape_cast %swap3A_289 : vector<1x16xf32> to vector<16xf32>
      %swap3A_291 = vector.shape_cast %mul3A_286 : vector<16xf32> to vector<1x16xf32>
      tpu.vector_store %arg5[%swap3A_287, %swap3A_288], %swap3A_291 {strides = array<i32>} : memref<196x16xf32, #tpu.memory_space<vmem>>, vector<1x16xf32>,
      %scan3A_292 = arith.constant 0 : i32
      %scan3A_293 = arith.constant 8 : i32
      %broadcast_in_dim3A_294 = vector.broadcast %scan3A_293 : i32 to vector<16xi32>
      %convert_element_type3A_295 = arith.sitofp %broadcast_in_dim3A_294 : vector<16xi32> to vector<16xf32>
      %mul3A_296 = arith.constant 14 : i32
      %mul3A_297 = arith.muli %scan3A_35, %mul3A_296 : i32
      %add3A_298 = arith.addi %mul3A_297, %scan3A_293 : i32
      %sub3A_299 = arith.subf %convert_element_type3A_295, %convert_element_type3A_19 : vector<16xf32>
      %abs3A_300 = math.absf %sub3A_299 : vector<16xf32>
      %add3A_301 = arith.addf %abs3A, %abs3A_300 : vector<16xf32>
      %mul3A_302 = arith.constant 0.285714298 : f32
      %mul3A_303 = vector.broadcast %mul3A_302 : f32 to vector<16xf32>
      %mul3A_304 = arith.mulf %mul3A_303, %add3A_301 : vector<16xf32>
      %sub3A_305 = arith.constant 1.000000e+00 : f32
      %sub3A_306 = vector.broadcast %sub3A_305 : f32 to vector<16xf32>
      %sub3A_307 = arith.subf %sub3A_306, %mul3A_304 : vector<16xf32>
      %max3A_308 = arith.constant -1.000000e+00 : f32
      %max3A_309 = vector.broadcast %max3A_308 : f32 to vector<16xf32>
      %max3A_310 = arith.maximumf %sub3A_307, %max3A_309 : vector<16xf32>
      %mul3A_311 = arith.constant 0.00255102036 : f32
      %mul3A_312 = vector.broadcast %mul3A_311 : f32 to vector<16xf32>
      %mul3A_313 = arith.mulf %mul3A_312, %max3A_310 : vector<16xf32>
      %get3A_314 = arith.index_cast %add3A_298 : i32 to index
      %get3A_315 = arith.constant 0 : index
      %get3A_316 = tpu.vector_load %arg4[%get3A_314, %get3A_315] {strides = array<i32>} : memref<196x16xf32, #tpu.memory_space<vmem>>, vector<1x16xf32>,
      %get3A_317 = vector.shape_cast %get3A_316 : vector<1x16xf32> to vector<16xf32>
      %mul3A_318 = arith.mulf %get3A_317, %mul3A_313 : vector<16xf32>
      %swap3A_319 = arith.index_cast %add3A_298 : i32 to index
      %swap3A_320 = arith.constant 0 : index
      %swap3A_321 = tpu.vector_load %arg5[%swap3A_319, %swap3A_320] {strides = array<i32>} : memref<196x16xf32, #tpu.memory_space<vmem>>, vector<1x16xf32>,
      %swap3A_322 = vector.shape_cast %swap3A_321 : vector<1x16xf32> to vector<16xf32>
      %swap3A_323 = vector.shape_cast %mul3A_318 : vector<16xf32> to vector<1x16xf32>
      tpu.vector_store %arg5[%swap3A_319, %swap3A_320], %swap3A_323 {strides = array<i32>} : memref<196x16xf32, #tpu.memory_space<vmem>>, vector<1x16xf32>,
      %scan3A_324 = arith.constant 0 : i32
      %scan3A_325 = arith.constant 9 : i32
      %broadcast_in_dim3A_326 = vector.broadcast %scan3A_325 : i32 to vector<16xi32>
      %convert_element_type3A_327 = arith.sitofp %broadcast_in_dim3A_326 : vector<16xi32> to vector<16xf32>
      %mul3A_328 = arith.constant 14 : i32
      %mul3A_329 = arith.muli %scan3A_35, %mul3A_328 : i32
      %add3A_330 = arith.addi %mul3A_329, %scan3A_325 : i32
      %sub3A_331 = arith.subf %convert_element_type3A_327, %convert_element_type3A_19 : vector<16xf32>
      %abs3A_332 = math.absf %sub3A_331 : vector<16xf32>
      %add3A_333 = arith.addf %abs3A, %abs3A_332 : vector<16xf32>
      %mul3A_334 = arith.constant 0.285714298 : f32
      %mul3A_335 = vector.broadcast %mul3A_334 : f32 to vector<16xf32>
      %mul3A_336 = arith.mulf %mul3A_335, %add3A_333 : vector<16xf32>
      %sub3A_337 = arith.constant 1.000000e+00 : f32
      %sub3A_338 = vector.broadcast %sub3A_337 : f32 to vector<16xf32>
      %sub3A_339 = arith.subf %sub3A_338, %mul3A_336 : vector<16xf32>
      %max3A_340 = arith.constant -1.000000e+00 : f32
      %max3A_341 = vector.broadcast %max3A_340 : f32 to vector<16xf32>
      %max3A_342 = arith.maximumf %sub3A_339, %max3A_341 : vector<16xf32>
      %mul3A_343 = arith.constant 0.00255102036 : f32
      %mul3A_344 = vector.broadcast %mul3A_343 : f32 to vector<16xf32>
      %mul3A_345 = arith.mulf %mul3A_344, %max3A_342 : vector<16xf32>
      %get3A_346 = arith.index_cast %add3A_330 : i32 to index
      %get3A_347 = arith.constant 0 : index
      %get3A_348 = tpu.vector_load %arg4[%get3A_346, %get3A_347] {strides = array<i32>} : memref<196x16xf32, #tpu.memory_space<vmem>>, vector<1x16xf32>,
      %get3A_349 = vector.shape_cast %get3A_348 : vector<1x16xf32> to vector<16xf32>
      %mul3A_350 = arith.mulf %get3A_349, %mul3A_345 : vector<16xf32>
      %swap3A_351 = arith.index_cast %add3A_330 : i32 to index
      %swap3A_352 = arith.constant 0 : index
      %swap3A_353 = tpu.vector_load %arg5[%swap3A_351, %swap3A_352] {strides = array<i32>} : memref<196x16xf32, #tpu.memory_space<vmem>>, vector<1x16xf32>,
      %swap3A_354 = vector.shape_cast %swap3A_353 : vector<1x16xf32> to vector<16xf32>
      %swap3A_355 = vector.shape_cast %mul3A_350 : vector<16xf32> to vector<1x16xf32>
      tpu.vector_store %arg5[%swap3A_351, %swap3A_352], %swap3A_355 {strides = array<i32>} : memref<196x16xf32, #tpu.memory_space<vmem>>, vector<1x16xf32>,
      %scan3A_356 = arith.constant 0 : i32
      %scan3A_357 = arith.constant 10 : i32
      %broadcast_in_dim3A_358 = vector.broadcast %scan3A_357 : i32 to vector<16xi32>
      %convert_element_type3A_359 = arith.sitofp %broadcast_in_dim3A_358 : vector<16xi32> to vector<16xf32>
      %mul3A_360 = arith.constant 14 : i32
      %mul3A_361 = arith.muli %scan3A_35, %mul3A_360 : i32
      %add3A_362 = arith.addi %mul3A_361, %scan3A_357 : i32
      %sub3A_363 = arith.subf %convert_element_type3A_359, %convert_element_type3A_19 : vector<16xf32>
      %abs3A_364 = math.absf %sub3A_363 : vector<16xf32>
      %add3A_365 = arith.addf %abs3A, %abs3A_364 : vector<16xf32>
      %mul3A_366 = arith.constant 0.285714298 : f32
      %mul3A_367 = vector.broadcast %mul3A_366 : f32 to vector<16xf32>
      %mul3A_368 = arith.mulf %mul3A_367, %add3A_365 : vector<16xf32>
      %sub3A_369 = arith.constant 1.000000e+00 : f32
      %sub3A_370 = vector.broadcast %sub3A_369 : f32 to vector<16xf32>
      %sub3A_371 = arith.subf %sub3A_370, %mul3A_368 : vector<16xf32>
      %max3A_372 = arith.constant -1.000000e+00 : f32
      %max3A_373 = vector.broadcast %max3A_372 : f32 to vector<16xf32>
      %max3A_374 = arith.maximumf %sub3A_371, %max3A_373 : vector<16xf32>
      %mul3A_375 = arith.constant 0.00255102036 : f32
      %mul3A_376 = vector.broadcast %mul3A_375 : f32 to vector<16xf32>
      %mul3A_377 = arith.mulf %mul3A_376, %max3A_374 : vector<16xf32>
      %get3A_378 = arith.index_cast %add3A_362 : i32 to index
      %get3A_379 = arith.constant 0 : index
      %get3A_380 = tpu.vector_load %arg4[%get3A_378, %get3A_379] {strides = array<i32>} : memref<196x16xf32, #tpu.memory_space<vmem>>, vector<1x16xf32>,
      %get3A_381 = vector.shape_cast %get3A_380 : vector<1x16xf32> to vector<16xf32>
      %mul3A_382 = arith.mulf %get3A_381, %mul3A_377 : vector<16xf32>
      %swap3A_383 = arith.index_cast %add3A_362 : i32 to index
      %swap3A_384 = arith.constant 0 : index
      %swap3A_385 = tpu.vector_load %arg5[%swap3A_383, %swap3A_384] {strides = array<i32>} : memref<196x16xf32, #tpu.memory_space<vmem>>, vector<1x16xf32>,
      %swap3A_386 = vector.shape_cast %swap3A_385 : vector<1x16xf32> to vector<16xf32>
      %swap3A_387 = vector.shape_cast %mul3A_382 : vector<16xf32> to vector<1x16xf32>
      tpu.vector_store %arg5[%swap3A_383, %swap3A_384], %swap3A_387 {strides = array<i32>} : memref<196x16xf32, #tpu.memory_space<vmem>>, vector<1x16xf32>,
      %scan3A_388 = arith.constant 0 : i32
      %scan3A_389 = arith.constant 11 : i32
      %broadcast_in_dim3A_390 = vector.broadcast %scan3A_389 : i32 to vector<16xi32>
      %convert_element_type3A_391 = arith.sitofp %broadcast_in_dim3A_390 : vector<16xi32> to vector<16xf32>
      %mul3A_392 = arith.constant 14 : i32
      %mul3A_393 = arith.muli %scan3A_35, %mul3A_392 : i32
      %add3A_394 = arith.addi %mul3A_393, %scan3A_389 : i32
      %sub3A_395 = arith.subf %convert_element_type3A_391, %convert_element_type3A_19 : vector<16xf32>
      %abs3A_396 = math.absf %sub3A_395 : vector<16xf32>
      %add3A_397 = arith.addf %abs3A, %abs3A_396 : vector<16xf32>
      %mul3A_398 = arith.constant 0.285714298 : f32
      %mul3A_399 = vector.broadcast %mul3A_398 : f32 to vector<16xf32>
      %mul3A_400 = arith.mulf %mul3A_399, %add3A_397 : vector<16xf32>
      %sub3A_401 = arith.constant 1.000000e+00 : f32
      %sub3A_402 = vector.broadcast %sub3A_401 : f32 to vector<16xf32>
      %sub3A_403 = arith.subf %sub3A_402, %mul3A_400 : vector<16xf32>
      %max3A_404 = arith.constant -1.000000e+00 : f32
      %max3A_405 = vector.broadcast %max3A_404 : f32 to vector<16xf32>
      %max3A_406 = arith.maximumf %sub3A_403, %max3A_405 : vector<16xf32>
      %mul3A_407 = arith.constant 0.00255102036 : f32
      %mul3A_408 = vector.broadcast %mul3A_407 : f32 to vector<16xf32>
      %mul3A_409 = arith.mulf %mul3A_408, %max3A_406 : vector<16xf32>
      %get3A_410 = arith.index_cast %add3A_394 : i32 to index
      %get3A_411 = arith.constant 0 : index
      %get3A_412 = tpu.vector_load %arg4[%get3A_410, %get3A_411] {strides = array<i32>} : memref<196x16xf32, #tpu.memory_space<vmem>>, vector<1x16xf32>,
      %get3A_413 = vector.shape_cast %get3A_412 : vector<1x16xf32> to vector<16xf32>
      %mul3A_414 = arith.mulf %get3A_413, %mul3A_409 : vector<16xf32>
      %swap3A_415 = arith.index_cast %add3A_394 : i32 to index
      %swap3A_416 = arith.constant 0 : index
      %swap3A_417 = tpu.vector_load %arg5[%swap3A_415, %swap3A_416] {strides = array<i32>} : memref<196x16xf32, #tpu.memory_space<vmem>>, vector<1x16xf32>,
      %swap3A_418 = vector.shape_cast %swap3A_417 : vector<1x16xf32> to vector<16xf32>
      %swap3A_419 = vector.shape_cast %mul3A_414 : vector<16xf32> to vector<1x16xf32>
      tpu.vector_store %arg5[%swap3A_415, %swap3A_416], %swap3A_419 {strides = array<i32>} : memref<196x16xf32, #tpu.memory_space<vmem>>, vector<1x16xf32>,
      %scan3A_420 = arith.constant 0 : i32
      %scan3A_421 = arith.constant 12 : i32
      %broadcast_in_dim3A_422 = vector.broadcast %scan3A_421 : i32 to vector<16xi32>
      %convert_element_type3A_423 = arith.sitofp %broadcast_in_dim3A_422 : vector<16xi32> to vector<16xf32>
      %mul3A_424 = arith.constant 14 : i32
      %mul3A_425 = arith.muli %scan3A_35, %mul3A_424 : i32
      %add3A_426 = arith.addi %mul3A_425, %scan3A_421 : i32
      %sub3A_427 = arith.subf %convert_element_type3A_423, %convert_element_type3A_19 : vector<16xf32>
      %abs3A_428 = math.absf %sub3A_427 : vector<16xf32>
      %add3A_429 = arith.addf %abs3A, %abs3A_428 : vector<16xf32>
      %mul3A_430 = arith.constant 0.285714298 : f32
      %mul3A_431 = vector.broadcast %mul3A_430 : f32 to vector<16xf32>
      %mul3A_432 = arith.mulf %mul3A_431, %add3A_429 : vector<16xf32>
      %sub3A_433 = arith.constant 1.000000e+00 : f32
      %sub3A_434 = vector.broadcast %sub3A_433 : f32 to vector<16xf32>
      %sub3A_435 = arith.subf %sub3A_434, %mul3A_432 : vector<16xf32>
      %max3A_436 = arith.constant -1.000000e+00 : f32
      %max3A_437 = vector.broadcast %max3A_436 : f32 to vector<16xf32>
      %max3A_438 = arith.maximumf %sub3A_435, %max3A_437 : vector<16xf32>
      %mul3A_439 = arith.constant 0.00255102036 : f32
      %mul3A_440 = vector.broadcast %mul3A_439 : f32 to vector<16xf32>
      %mul3A_441 = arith.mulf %mul3A_440, %max3A_438 : vector<16xf32>
      %get3A_442 = arith.index_cast %add3A_426 : i32 to index
      %get3A_443 = arith.constant 0 : index
      %get3A_444 = tpu.vector_load %arg4[%get3A_442, %get3A_443] {strides = array<i32>} : memref<196x16xf32, #tpu.memory_space<vmem>>, vector<1x16xf32>,
      %get3A_445 = vector.shape_cast %get3A_444 : vector<1x16xf32> to vector<16xf32>
      %mul3A_446 = arith.mulf %get3A_445, %mul3A_441 : vector<16xf32>
      %swap3A_447 = arith.index_cast %add3A_426 : i32 to index
      %swap3A_448 = arith.constant 0 : index
      %swap3A_449 = tpu.vector_load %arg5[%swap3A_447, %swap3A_448] {strides = array<i32>} : memref<196x16xf32, #tpu.memory_space<vmem>>, vector<1x16xf32>,
      %swap3A_450 = vector.shape_cast %swap3A_449 : vector<1x16xf32> to vector<16xf32>
      %swap3A_451 = vector.shape_cast %mul3A_446 : vector<16xf32> to vector<1x16xf32>
      tpu.vector_store %arg5[%swap3A_447, %swap3A_448], %swap3A_451 {strides = array<i32>} : memref<196x16xf32, #tpu.memory_space<vmem>>, vector<1x16xf32>,
      %scan3A_452 = arith.constant 0 : i32
      %scan3A_453 = arith.constant 13 : i32
      %broadcast_in_dim3A_454 = vector.broadcast %scan3A_453 : i32 to vector<16xi32>
      %convert_element_type3A_455 = arith.sitofp %broadcast_in_dim3A_454 : vector<16xi32> to vector<16xf32>
      %mul3A_456 = arith.constant 14 : i32
      %mul3A_457 = arith.muli %scan3A_35, %mul3A_456 : i32
      %add3A_458 = arith.addi %mul3A_457, %scan3A_453 : i32
      %sub3A_459 = arith.subf %convert_element_type3A_455, %convert_element_type3A_19 : vector<16xf32>
      %abs3A_460 = math.absf %sub3A_459 : vector<16xf32>
      %add3A_461 = arith.addf %abs3A, %abs3A_460 : vector<16xf32>
      %mul3A_462 = arith.constant 0.285714298 : f32
      %mul3A_463 = vector.broadcast %mul3A_462 : f32 to vector<16xf32>
      %mul3A_464 = arith.mulf %mul3A_463, %add3A_461 : vector<16xf32>
      %sub3A_465 = arith.constant 1.000000e+00 : f32
      %sub3A_466 = vector.broadcast %sub3A_465 : f32 to vector<16xf32>
      %sub3A_467 = arith.subf %sub3A_466, %mul3A_464 : vector<16xf32>
      %max3A_468 = arith.constant -1.000000e+00 : f32
      %max3A_469 = vector.broadcast %max3A_468 : f32 to vector<16xf32>
      %max3A_470 = arith.maximumf %sub3A_467, %max3A_469 : vector<16xf32>
      %mul3A_471 = arith.constant 0.00255102036 : f32
      %mul3A_472 = vector.broadcast %mul3A_471 : f32 to vector<16xf32>
      %mul3A_473 = arith.mulf %mul3A_472, %max3A_470 : vector<16xf32>
      %get3A_474 = arith.index_cast %add3A_458 : i32 to index
      %get3A_475 = arith.constant 0 : index
      %get3A_476 = tpu.vector_load %arg4[%get3A_474, %get3A_475] {strides = array<i32>} : memref<196x16xf32, #tpu.memory_space<vmem>>, vector<1x16xf32>,
      %get3A_477 = vector.shape_cast %get3A_476 : vector<1x16xf32> to vector<16xf32>
      %mul3A_478 = arith.mulf %get3A_477, %mul3A_473 : vector<16xf32>
      %swap3A_479 = arith.index_cast %add3A_458 : i32 to index
      %swap3A_480 = arith.constant 0 : index
      %swap3A_481 = tpu.vector_load %arg5[%swap3A_479, %swap3A_480] {strides = array<i32>} : memref<196x16xf32, #tpu.memory_space<vmem>>, vector<1x16xf32>,
      %swap3A_482 = vector.shape_cast %swap3A_481 : vector<1x16xf32> to vector<16xf32>
      %swap3A_483 = vector.shape_cast %mul3A_478 : vector<16xf32> to vector<1x16xf32>
      tpu.vector_store %arg5[%swap3A_479, %swap3A_480], %swap3A_483 {strides = array<i32>} : memref<196x16xf32, #tpu.memory_space<vmem>>, vector<1x16xf32>,
      %scan3A_484 = arith.constant 0 : i32
      %scan3A_485 = arith.constant 14 : i32
      %scan3A_486 = arith.constant 0 : i32
      scf.yield %scan3A_486 : i32
    }
    %scan3A_26 = arith.constant 14 : i32
    %dma_start3A_27 = arith.constant 0 : i32
    %dma_start3A_28 = tpu.memref_slice %arg3[%dma_start3A_27, %mul3A_2] : memref<196x512xf32, #tpu.memory_space<hbm>> -> memref<196x16xf32, #tpu.memory_space<hbm>>
    %dma_start3A_29 = arith.constant 0 : i32
    %dma_start3A_30 = tpu.memref_slice %arg3[%dma_start3A_29, %mul3A_2] : memref<196x512xf32, #tpu.memory_space<hbm>> -> memref<196x16xf32, #tpu.memory_space<hbm>>
    tpu.enqueue_dma source(%arg5 : memref<196x16xf32, #tpu.memory_space<vmem>>) target(%dma_start3A_30 : memref<196x16xf32, #tpu.memory_space<hbm>>) target_semaphore(%arg7 : memref<!tpu.dma_semaphore, #tpu.memory_space<semaphore_mem>>)
    %dma_wait3A_31 = arith.constant 0 : i32
    %dma_wait3A_32 = tpu.memref_slice %arg3[%dma_wait3A_31, %mul3A_2] : memref<196x512xf32, #tpu.memory_space<hbm>> -> memref<196x16xf32, #tpu.memory_space<hbm>>
    %dma_wait3A_33 = arith.constant 0 : i32
    %dma_wait3A_34 = tpu.memref_slice %arg3[%dma_wait3A_33, %mul3A_2] : memref<196x512xf32, #tpu.memory_space<hbm>> -> memref<196x16xf32, #tpu.memory_space<hbm>>
    tpu.wait_dma2 semaphore(%arg7 : memref<!tpu.dma_semaphore, #tpu.memory_space<semaphore_mem>>) src(%arg5 : memref<196x16xf32, #tpu.memory_space<vmem>>) dst(%dma_wait3A_34 : memref<196x16xf32, #tpu.memory_space<hbm>>)
    return
  }
}

</mosaic_0001>

<sc_bundles>
// kernel: kernel.3.cloned.1.call-start
scs
__scs_entry_jumppad:
0x0: {  	(pc) =	sbr.rel $0x88, $3  }
0x1: {  	(tag) =	ssettag $0x0;
	lr =	simm.s32 $0x1  }
0x2: {  	[smem:$0x3FA0] =	sst lr;
	_ =	strace $0xD0000000  }
0x3: {  	_ = 	snop  }
0x4: {  	_ = 	snop  }
0x5: {  	_ = 	snop  }
0x6: {  	_ = 	snop  }
0x7: {  	_ = 	snop  }
__scs_overlays_trampoline_lowered:
0x8: {  	[smem:$0x3FAF] =	sst s0  }
0x9: {  	[smem:$0x3FB0] =	sst s1  }
0xa: {  	[smem:$0x3FB1] =	sst s2  }
0xb: {  	[smem:$0x3FB2] =	sst s3  }
0xc: {  	[smem:$0x3FB3] =	sst s4  }
0xd: {  	[smem:$0x3FB4] =	sst s5  }
0xe: {  	[smem:$0x3FB5] =	sst s6  }
0xf: {  	[smem:$0x3FB6] =	sst s7  }
0x10: {  	[smem:$0x3FB7] =	sst s8  }
0x11: {  	[smem:$0x3FB8] =	sst s9;
	s0 =	simm.s32 @!p0 $0x0  }
0x12: {  	s1 =	sld [smem:$0x3F9E];
	s0 =	simm.s32 @p0 $0x1  }
0x13: {  	[smem:$0x3FB9] =	sst s0;
	s0 =	simm.s32 @!p1 $0x0  }
0x14: {  	s2 =	sld [smem:$0x3F9D];
	s0 =	simm.s32 @p1 $0x1  }
0x15: {  	[smem:$0x3FBA] =	sst s0;
	s0 =	simm.s32 @!p2 $0x0  }
0x16: {  	s3 =	sld [smem:$0x3FDB];
	s0 =	simm.s32 @p2 $0x1  }
0x17: {  	s4 =	simm.s32 $0x1BF5;
	[smem:$0x3FBC] =	sst s0  }
0x18: {  	s0 =	sld [smem:$0x3F9F];
	_ =	swait.ge [sflag:s4], $0x0  }
0x19: {  	s7 =	sld [smem:$0x3FA0]  }
0x1a: {  	s8 =	sadd.s32 $0xFFFFE003, lr  }
0x1b: {  	s9 =	sadd.s32 $0xFFFFFEF7, lr;
	s5 =	simm.s32 $0xFFFFFFFF;
	p2 =	slt.u32 s8, $0xFFFFF086  }
0x1c: {  	p1 =	slt.u32 s9, $0xF7A;
	s5 =	simm.s32 @!p2 $0x0  }
0x1d: {  	s5 =	simm.s32 @p1 $0x1;
	p0 =	seq.s32 s7, s2  }
0x1e: {  	s7 =	smul.u32 @!p0 $0xF7A, s2;
	p2 =	seq.s32 @!p0 s5, $0x0  }
0x1f: {  	s9 =	smul.u32 $0xF7A, s1;
	s8 =	simm.s32 @!p0 $0x1BF5;
	p2 =	por !p2, p0  }
0x20: {  	[sflag:s8] =	ssyncset.s32 @!p0 $0xFFFFF086;
	s6 =	sadd.s32 @!p0 s3, s7;
	s7 =	simm.s32 @!p0 $0x108  }
0x21: {  	s3 =	sadd.s32 s3, s9;
	s6 =	sadd.s32 @!p0 $0x88, s6;
	s7 =	simm.s32 @p2 $0x1082  }
0x22: {  	[simem:s7], [sflag:s8] =	dma.local @!p0 [hbm:s6], $0xF7A  }
0x23: {  	s9 =	sor.u32 $0xD0000000, s2;
	s6 =	simm.s32 $0x108;
	_ =	swait.ge @!p0 [sflag:s8], $0x0  }
0x24: {  	s3 =	sadd.s32 $0x88, s3;
	s6 =	simm.s32 @!p1 $0x1082;
	[sflag:s4] =	ssyncset.s32 $0xFFFFF086  }
0x25: {  	[simem:s6], [sflag:s4] =	dma.local [hbm:s3], $0xF7A  }
0x26: {  	[smem:$0x3FA0] =	sst s1;
	(tag) =	ssettag s2;
	_ =	strace s9  }
0x27: {  	s1 =	sld [smem:$0x3FB0]  }
0x28: {  	s2 =	sld [smem:$0x3FB1]  }
0x29: {  	s4 =	sld [smem:$0x3FB3]  }
0x2a: {  	p0 =	seq.s32 s5, $0x0;
	s5 =	sld [smem:$0x3FB4]  }
0x2b: {  	s6 =	sld [smem:$0x3FB5]  }
0x2c: {  	s7 =	sld [smem:$0x3FB6]  }
0x2d: {  	s3 =	simm.s32 $0x108;
	s8 =	sld [smem:$0x3FB7]  }
0x2e: {  	s3 =	simm.s32 @!p0 $0x1082;
	s9 =	sld [smem:$0x3FB8]  }
0x2f: {  	lr =	sadd.s32 s0, s3;
	s0 =	sld [smem:$0x3FAF]  }
0x30: {  	s3 =	sld [smem:$0x3FB2]  }
0x31: {  	[smem:$0x3FBB] =	sst s10  }
0x32: {  	s10 =	sld [smem:$0x3FB9];
	_ =	sdelay $0x3  }
0x33: {  	p0 =	seq.s32 s10, $0x1;
	s10 =	sld [smem:$0x3FBB];
	_ =	sdelay $0x3  }
0x34: {  	[smem:$0x3FBB] =	sst s10  }
0x35: {  	s10 =	sld [smem:$0x3FBA];
	_ =	sdelay $0x3  }
0x36: {  	p1 =	seq.s32 s10, $0x1;
	s10 =	sld [smem:$0x3FBB];
	_ =	sdelay $0x3  }
0x37: {  	[smem:$0x3FBB] =	sst s10  }
0x38: {  	s10 =	sld [smem:$0x3FBC]  }
0x39: {  	_ = 	snop;
	(pc) =	sbr.ind lr, $3  }
0x3a: {  	_ = 	snop  }
0x3b: {  	_ = 	snop  }
0x3c: {  	p2 =	seq.s32 s10, $0x1;
	s10 =	sld [smem:$0x3FBB]  }
0x3d: {  	_ =	shalt  }
0x3e: {  	_ =	shalt  }
0x3f: {  	_ =	shalt  }
0x40: {  	_ =	shalt  }
0x41: {  	_ =	shalt  }
0x42: {  	_ =	shalt  }
0x43: {  	_ =	shalt  }
0x44: {  	_ =	shalt  }
0x45: {  	_ =	shalt  }
0x46: {  	_ =	shalt  }
0x47: {  	_ =	shalt  }
0x48: {  	_ =	shalt  }
0x49: {  	_ =	shalt  }
0x4a: {  	_ =	shalt  }
0x4b: {  	_ =	shalt  }
0x4c: {  	_ =	shalt  }
0x4d: {  	_ =	shalt  }
0x4e: {  	_ =	shalt  }
0x4f: {  	_ =	shalt  }
0x50: {  	_ =	shalt  }
0x51: {  	_ =	shalt  }
0x52: {  	_ =	shalt  }
0x53: {  	_ =	shalt  }
0x54: {  	_ =	shalt  }
0x55: {  	_ =	shalt  }
0x56: {  	_ =	shalt  }
0x57: {  	_ =	shalt  }
0x58: {  	_ =	shalt  }
0x59: {  	_ =	shalt  }
0x5a: {  	_ =	shalt  }
0x5b: {  	_ =	shalt  }
0x5c: {  	_ =	shalt  }
0x5d: {  	_ =	shalt  }
0x5e: {  	_ =	shalt  }
0x5f: {  	_ =	shalt  }
0x60: {  	_ =	shalt  }
0x61: {  	_ =	shalt  }
0x62: {  	_ =	shalt  }
0x63: {  	_ =	shalt  }
0x64: {  	_ =	shalt  }
0x65: {  	_ =	shalt  }
0x66: {  	_ =	shalt  }
0x67: {  	_ =	shalt  }
0x68: {  	_ =	shalt  }
0x69: {  	_ =	shalt  }
0x6a: {  	_ =	shalt  }
0x6b: {  	_ =	shalt  }
0x6c: {  	_ =	shalt  }
0x6d: {  	_ =	shalt  }
0x6e: {  	_ =	shalt  }
0x6f: {  	_ =	shalt  }
0x70: {  	_ =	shalt  }
0x71: {  	_ =	shalt  }
0x72: {  	_ =	shalt  }
0x73: {  	_ =	shalt  }
0x74: {  	_ =	shalt  }
0x75: {  	_ =	shalt  }
0x76: {  	_ =	shalt  }
0x77: {  	_ =	shalt  }
0x78: {  	_ =	shalt  }
0x79: {  	_ =	shalt  }
0x7a: {  	_ =	shalt  }
0x7b: {  	_ =	shalt  }
0x7c: {  	_ =	shalt  }
0x7d: {  	_ =	shalt  }
0x7e: {  	_ =	shalt  }
0x7f: {  	_ =	shalt  }
0x80: {  	_ =	shalt  }
0x81: {  	_ =	shalt  }
0x82: {  	_ =	shalt  }
0x83: {  	_ =	shalt  }
0x84: {  	_ =	shalt  }
0x85: {  	_ =	shalt  }
0x86: {  	_ =	shalt  }
0x87: {  	_ =	shalt  }
.Lfunc_end0:
.L_simem_size_0:
called_computation_lowered:
.L_overlay_start_0:
0x88: {  	s2 =	sld [smem:$0x3FD9]  }
0x89: {  	s3 =	sld [smem:$0x3FFE];
	_ =	sdelay $0x1  }
0x8a: {  	s1 =	srdreg.scid  }
0x8b: {  	s0 =	sand.u32 $0x1, s1  }
0x8c: {  	s17 =	sshll.u32 s0, $0xA;
	s2 =	sadd.s32 s3, s2  }
0x8d: {  	s2 =	sadd.s32 s2, s17  }
0x8e: {  	[smem:$0x3FC7] =	sst s2  }
0x8f: {  	_ = 	snop  }
0x90: {  	s2 =	sld [smem:$0x3FD0];
	(tm) =	ssettm $0x1  }
0x91: {  	s18 =	sld [smem:$0x3FFB];
	_ =	sdelay $0x3  }
0x92: {  	_ =	strace s18  }
0x93: {  	s3 =	sld [smem:$0x3FFC];
	_ =	sdelay $0x3  }
0x94: {  	_ =	strace s3  }
0x95: {  	s3 =	sld [smem:$0x3FFD];
	_ =	sdelay $0x3  }
0x96: {  	_ =	strace s3  }
0x97: {  	_ =	strace $0x8FFFFFFF  }
0x98: {  	s19 =	sld [smem:$0x3FDB];
	_ =	sdelay $0x1  }
0x99: {  	s4 =	simm.s32 $_scs_section_size  }
0x9a: {  	s5 =	simm.s32 $_size__tile_overlayer_lowered;
	s6 =	simm.s32 $_tile_overlayer_lowered  }
0x9b: {  	s22 =	simm.s32 $0x1BFF;
	s21 =	sshll.u32 s6, $0x1;
	s3 =	sadd.s32 s4, s19  }
0x9c: {  	s7 =	simm.s32 $0x0;
	s20 =	sshll.u32 s5, $0x1;
	s5 =	sadd.s32 s21, s3  }
0x9d: {  	[timem:s7], [sflag:s22] =	dma.local [hbm:s5], s20  }
0x9e: {  	_ =	swait.ge [sflag:s22], s20  }
0x9f: {  	s4 =	ssub.s32 $0x0, s20;
	[sflag:s22] =	ssyncset.done $0x0  }
0xa0: {  	[sflag:s22] =	ssyncadd.s32 s4;
	_ =	sdelay $0x1  }
0xa1: {  	s23 =	simm.s32 $0x1B8B  }
0xa2: {  	_ =	swait.ge [sflag:s23], $0x1  }
0xa3: {  	[sflag:s23] =	ssyncset.done $0x0  }
0xa4: {  	s25 =	simm.s32 $0x1B8E;
	s24 =	sld [smem:$0x3FFE];
	[sflag:s23] =	ssyncadd.s32 $0xFFFFFFFF  }
0xa5: {  	s26 =	simm.s32 $execute0_lowered;
	[smem:$0x3FD2] =	sst s25  }
0xa6: {  	s5 =	sshll.u32 s26, $0x1;
	_ =	strace $0x80000046;
	[dreg:$0x1] =	wrdreg $0xFFFFFFFF  }
0xa7: {  	s28 =	simm.s32 $_size_execute0_lowered;
	s3 =	sadd.s32 s3, s5;
	[dreg:$0x0] =	wrdreg $0x0  }
0xa8: {  	s5 =	sshll.u32 s28, $0x1;
	[dreg:$0x2] =	wrdreg s3  }
0xa9: {  	[dreg:$0x3] =	wrdreg s5  }
0xaa: {  	[dreg:$0x4] =	wrdreg $0xC0  }
0xab: {  	_ =	task [dreg:s7], $0x5FFFF  }
0xac: {  	[dreg:$0x1] =	wrdreg $0xFFFFFFFF  }
0xad: {  	[dreg:$0x0] =	wrdreg $0x60  }
0xae: {  	[dreg:$0x2] =	wrdreg s2  }
0xaf: {  	[dreg:$0x3] =	wrdreg s24  }
0xb0: {  	[dreg:$0x4] =	wrdreg $0x9  }
0xb1: {  	_ =	task.clear_ibuf [dreg:s7], $0x5FFFF;
	_ =	strace $0x90000046  }
0xb2: {  	s29 =	simm.s32 $0x9;
	_ =	strace $0x80000048  }
0xb3: {  	_ =	swait.ge [sflag:s29], $0x1  }
0xb4: {  	[sflag:s29] =	ssyncadd.s32 $0xFFFFFFFF  }
0xb5: {  	_ =	strace $0x90000048  }
0xb6: {  	_ =	sfence  }
0xb7: {  	s30 =	sld [smem:$0x0];
	_ =	sdelay $0x2  }
0xb8: {  	s31 =	sshll.u32 s1, $0xD;
	s1 =	sshrl.u32 s1, $0x2  }
0xb9: {  	s3 =	sand.u32 $0x4000, s31;
	s1 =	sadd.s32 s1, s30  }
0xba: {  	s0 =	sor.u32 s3, s0;
	s1 =	sshll.u32 s1, $0x11  }
0xbb: {  	s0 =	sor.u32 s1, s0  }
0xbc: {  	s0 =	sadd.s32 $0x8F2B, s0  }
0xbd: {  	[sflag:s0] =	ssyncadd.remote.s32 $0x1  }
0xbe: {  	_ =	sfence.sel $0xFFFF  }
0xbf: {  	[dreg:$0x0] =	wrdreg $0xFFFFFFFF;
	(pc) =	sbr.abs _section_cstart, $3  }
0xc0: {  	[dreg:$0x1] =	wrdreg $0xFFFFFFFF  }
0xc1: {  	_ =	task.clear_ibuf [dreg:s7], $0x2FFFF;
	_ =	strace $0x9FFFFFFF  }
0xc2: {  	(tm) =	ssettm $0x7FFFFFFF  }
0xc3: {  	_ =	shalt  }
tec
execute0_lowered:
.L_overlay_start_1:
0x0: {  	(tag) =	ssettag $0x1  }
0x1: {  	s3 =	rddreg [dreg:$0x0]  }
0x2: {  	s4 =	rddreg [dreg:$0x1]  }
0x3: {  	s0 =	rddreg [dreg:$0x2];
	s5 =	srdreg.scid  }
0x4: {  	s2 =	simm.s32 $0x0;
	s1 =	stileid.u32;
	s8 =	simm.s32 $0x1  }
0x5: {  	s9 =	simm.s32 $0xC40;
	s10 =	simm.s32 $0x2;
	s11 =	simm.s32 $0x0  }
0x6: {  	v0 =	vimm.s32 $0xECA86420;
	s5 =	sand.u32 $0x1, s5;
	s6 =	sshll.u32 s1, $0x2;
	[smem:$0x7FF] =	sst s2  }
0x7: {  	vm0 =	vcmask $0xB08;
	vm1 =	vcmask $0x1310;
	vm2 =	vcmask $0x1B18;
	s7 =	sshll.u32 s5, $0x1;
	s5 =	ssub.s32 $0x2, s5;
	_ =	strace $0x80000047  }
0x8: {  	vm4 =	vcmask $0x2320;
	vm5 =	vcmask $0x2B28;
	v0 =	vunpack.c.l.s4.s8 v0;
	s6 =	sor.u32 s7, s6;
	s31 =	sshrl.u32 s5, $0x1;
	s7 =	simm.s32 $0x200  }
0x9: {  	vm6 =	vcmask $0x3330;
	v1 =	vlaneseq.u32;
	vm7 =	vcmask $0x3B38;
	s4 =	sadd.s32 s6, s4;
	s5 =	ssub.s32 s5, s31;
	s3 =	sadd.s32 s3, s6  }
0xa: {  	vm8 =	vmmov $0xff;
	v1 =	vmul.u32 $0x2, v1;
	v0 =	vunpack.c.0.s8.s32 v0;
	s6 =	simm.s32 $0x10;
	s4 =	sadd.s32 $0x400, s4;
	s5 =	smax.u32 s5, $0x1  }
.LBB2_1:
0xb: {  	[tilespmem:s2], [sflag:$0x1] =	stream.strided.gather [hbm4b:s3+s6], $0xC40, s7, s6, $0x38;
	[tilespmem:$0x1880] =	vst v63  }
0xc: {  	_ =	swait.ge [sflag:s8], $0xC40  }
0xd: {  	[sflag:s8] =	ssyncset.done $0x0  }
0xe: {  	s12 =	simm.s32 $0x70;
	[sflag:s8] =	ssyncadd.s32 $0xFFFFF3C0  }
0xf: {  	v2 =	vld [tilespmem:s12+$0xFFFFFF90];
	_ =	sdelay $0x1  }
0x10: {  	v3 =	vld [tilespmem:s12+$0xFFFFFFA0];
	_ =	sdelay $0x1  }
0x11: {  	v4 =	vimm.f32 $-Inf;
	v5 =	vld [tilespmem:s12+$0xFFFFFFB0]  }
0x12: {  	vm9 =	vgt.f32 v2, v4  }
0x13: {  	v2 =	vsel vm9, v2, v4;
	v4 =	vld [tilespmem:s12+$0xFFFFFFC0]  }
0x14: {  	vm10 =	vgt.f32 v3, v2  }
0x15: {  	v2 =	vsel vm10, v3, v2;
	v3 =	vld [tilespmem:s12+$0xFFFFFFD0]  }
0x16: {  	vm11 =	vgt.f32 v5, v2  }
0x17: {  	v2 =	vsel vm11, v5, v2;
	v5 =	vld [tilespmem:s12+$0xFFFFFFE0]  }
0x18: {  	vm12 =	vgt.f32 v4, v2  }
0x19: {  	v2 =	vsel vm12, v4, v2;
	v4 =	vld [tilespmem:s12+$0xFFFFFFF0]  }
0x1a: {  	vm13 =	vgt.f32 v3, v2  }
0x1b: {  	v2 =	vsel vm13, v3, v2;
	v3 =	vld [tilespmem:s12+$0x0]  }
0x1c: {  	v6 =	vimm.s32 $0x0;
	vm14 =	vgt.f32 v5, v2  }
0x1d: {  	s13 =	simm.s32 $0x1;
	v6 =	vsel vm9, s2, v6;
	v2 =	vsel vm14, v5, v2  }
0x1e: {  	s22 =	simm.s32 $0x2;
	v6 =	vsel vm10, s13, v6;
	v5 =	vld [tilespmem:s12+$0x10];
	vm9 =	vgt.f32 v4, v2  }
0x1f: {  	s23 =	simm.s32 $0x3;
	v6 =	vsel vm11, s22, v6;
	v2 =	vsel vm9, v4, v2  }
0x20: {  	s24 =	simm.s32 $0x4;
	v6 =	vsel vm12, s23, v6;
	v4 =	vld [tilespmem:s12+$0x20];
	vm10 =	vgt.f32 v3, v2  }
0x21: {  	s25 =	simm.s32 $0x5;
	v2 =	vsel vm10, v3, v2;
	v3 =	vsel vm13, s24, v6  }
0x22: {  	s26 =	simm.s32 $0x6;
	v7 =	vld [tilespmem:s12+$0x30];
	v3 =	vsel vm14, s25, v3  }
0x23: {  	s28 =	simm.s32 $0x7;
	vm11 =	vgt.f32 v5, v2;
	v3 =	vsel vm9, s26, v3  }
0x24: {  	s29 =	simm.s32 $0x8;
	v2 =	vsel vm11, v5, v2;
	v5 =	vld [tilespmem:s12+$0x40];
	v3 =	vsel vm10, s28, v3  }
0x25: {  	s30 =	simm.s32 $0x9;
	vm9 =	vgt.f32 v4, v2;
	v3 =	vsel vm11, s29, v3  }
0x26: {  	v2 =	vsel vm9, v4, v2;
	v4 =	vsel vm9, s30, v3;
	v3 =	vld [tilespmem:s12+$0x50]  }
0x27: {  	vm10 =	vgt.f32 v7, v2  }
0x28: {  	s31 =	simm.s32 $0xA;
	v6 =	vsel vm10, v7, v2;
	v2 =	vld [tilespmem:s12+$0x60]  }
0x29: {  	s14 =	simm.s32 $0xB;
	s13 =	simm.s32 $0x150;
	v7 =	vsel vm10, s31, v4;
	vm9 =	vgt.f32 v5, v6  }
0x2a: {  	s15 =	simm.s32 $0x1C;
	s12 =	simm.s32 $0xE;
	v4 =	vld [tilespmem:s13+$0xFFFFFF90];
	v6 =	vsel vm9, v5, v6;
	v5 =	vsel vm9, s14, v7;
	s14 =	simm.s32 $0x0  }
.LBB2_2:
0x2b: {  	p0 =	slt.u32 s15, $0xB6;
	s16 =	sadd.s32 $0xC, s14;
	vm9 =	vgt.f32 v3, v6  }
0x2c: {  	v7 =	vld [tilespmem:s13+$0xFFFFFFA0];
	v3 =	vsel vm9, v3, v6;
	v5 =	vsel vm9, s16, v5  }
0x2d: {  	s16 =	sadd.s32 $0xD, s14;
	s14 =	smov.u32 s12;
	s12 =	smov.u32 s15;
	vm9 =	vgt.f32 v2, v3  }
0x2e: {  	v6 =	vld [tilespmem:s13+$0xFFFFFFB0];
	v2 =	vsel vm9, v2, v3;
	v3 =	vsel vm9, s16, v5  }
0x2f: {  	vm9 =	vgt.f32 v4, v2  }
0x30: {  	v2 =	vsel vm9, v4, v2;
	v3 =	vsel vm9, s14, v3;
	v4 =	vld [tilespmem:s13+$0xFFFFFFC0]  }
0x31: {  	s16 =	sadd.s32 $0x1, s14;
	vm9 =	vgt.f32 v7, v2  }
0x32: {  	v2 =	vsel vm9, v7, v2;
	v3 =	vsel vm9, s16, v3;
	v5 =	vld [tilespmem:s13+$0xFFFFFFD0]  }
0x33: {  	s16 =	sadd.s32 $0x2, s14;
	vm9 =	vgt.f32 v6, v2  }
0x34: {  	v2 =	vsel vm9, v6, v2;
	v3 =	vsel vm9, s16, v3;
	v6 =	vld [tilespmem:s13+$0xFFFFFFE0]  }
0x35: {  	s16 =	sadd.s32 $0x3, s14;
	vm9 =	vgt.f32 v4, v2  }
0x36: {  	v2 =	vsel vm9, v4, v2;
	v3 =	vsel vm9, s16, v3;
	v4 =	vld [tilespmem:s13+$0xFFFFFFF0]  }
0x37: {  	s16 =	sadd.s32 $0x4, s14;
	vm9 =	vgt.f32 v5, v2  }
0x38: {  	v2 =	vsel vm9, v5, v2;
	v3 =	vsel vm9, s16, v3;
	v5 =	vld [tilespmem:s13+$0x0]  }
0x39: {  	s16 =	sadd.s32 $0x5, s14;
	vm9 =	vgt.f32 v6, v2  }
0x3a: {  	v2 =	vsel vm9, v6, v2;
	v3 =	vsel vm9, s16, v3;
	v6 =	vld [tilespmem:s13+$0x10]  }
0x3b: {  	s16 =	sadd.s32 $0x6, s14;
	vm9 =	vgt.f32 v4, v2  }
0x3c: {  	v2 =	vsel vm9, v4, v2;
	v3 =	vsel vm9, s16, v3;
	v4 =	vld [tilespmem:s13+$0x20]  }
0x3d: {  	s16 =	sadd.s32 $0x7, s14;
	vm9 =	vgt.f32 v5, v2  }
0x3e: {  	v2 =	vsel vm9, v5, v2;
	v3 =	vsel vm9, s16, v3;
	v5 =	vld [tilespmem:s13+$0x30]  }
0x3f: {  	s16 =	sadd.s32 $0x8, s14;
	vm9 =	vgt.f32 v6, v2  }
0x40: {  	v2 =	vsel vm9, v6, v2;
	v3 =	vsel vm9, s16, v3;
	v6 =	vld [tilespmem:s13+$0x40]  }
0x41: {  	s16 =	sadd.s32 $0x9, s14;
	vm9 =	vgt.f32 v4, v2  }
.Ltmp0:
0x42: {  	v2 =	vsel vm9, v4, v2;
	v4 =	vsel vm9, s16, v3;
	v3 =	vld [tilespmem:s13+$0x50];
	(pc) =	sbr.rel @p0 .LBB2_2-.Ltmp0, $4  }
0x43: {  	s16 =	sadd.s32 $0xA, s14;
	vm9 =	vgt.f32 v5, v2  }
0x44: {  	v5 =	vsel vm9, v5, v2;
	v7 =	vsel vm9, s16, v4;
	v2 =	vld [tilespmem:s13+$0x60]  }
0x45: {  	s16 =	sadd.s32 $0xB, s14;
	s13 =	sadd.s32 $0xE0, s13;
	vm9 =	vgt.f32 v6, v5  }
0x46: {  	s15 =	sadd.s32 $0xE, s15;
	v4 =	vld [tilespmem:s13+$0xFFFFFF90];
	v6 =	vsel vm9, v6, v5;
	v5 =	vsel vm9, s16, v7  }
0x47: {  	vm9 =	vgt.f32 v3, v6  }
0x48: {  	v7 =	vld [tilespmem:s13+$0xFFFFFFA0];
	v3 =	vsel vm9, v3, v6  }
0x49: {  	vm10 =	vgt.f32 v2, v3  }
0x4a: {  	v6 =	vld [tilespmem:s13+$0xFFFFFFB0];
	v2 =	vsel vm10, v2, v3  }
0x4b: {  	vm11 =	vgt.f32 v4, v2  }
0x4c: {  	v3 =	vld [tilespmem:s13+$0xFFFFFFC0];
	v2 =	vsel vm11, v4, v2  }
0x4d: {  	vm12 =	vgt.f32 v7, v2  }
0x4e: {  	v4 =	vld [tilespmem:s13+$0xFFFFFFD0];
	v2 =	vsel vm12, v7, v2  }
0x4f: {  	vm13 =	vgt.f32 v6, v2  }
0x50: {  	v2 =	vsel vm13, v6, v2;
	v6 =	vld [tilespmem:s13+$0xFFFFFFE0]  }
0x51: {  	vm14 =	vgt.f32 v3, v2  }
0x52: {  	v2 =	vsel vm14, v3, v2;
	v3 =	vld [tilespmem:s13+$0xFFFFFFF0]  }
0x53: {  	vm15 =	vgt.f32 v4, v2  }
0x54: {  	v2 =	vsel vm15, v4, v2;
	v4 =	vld [tilespmem:s13+$0x0]  }
0x55: {  	vm3 =	vgt.f32 v6, v2  }
0x56: {  	s15 =	sadd.s32 $0xC, s14;
	v2 =	vsel vm3, v6, v2;
	v6 =	vld [tilespmem:s13+$0x10]  }
0x57: {  	s26 =	sadd.s32 $0xD, s14;
	v5 =	vsel vm9, s15, v5;
	vm9 =	vgt.f32 v3, v2  }
0x58: {  	v5 =	vsel vm10, s26, v5;
	v2 =	vsel vm9, v3, v2;
	v3 =	vld [tilespmem:s13+$0x20]  }
0x59: {  	s28 =	sadd.s32 $0x1, s12;
	v5 =	vsel vm11, s12, v5;
	vm10 =	vgt.f32 v4, v2  }
0x5a: {  	s29 =	sadd.s32 $0x2, s12;
	v5 =	vsel vm12, s28, v5;
	v2 =	vsel vm10, v4, v2;
	v4 =	vld [tilespmem:s13+$0x30]  }
0x5b: {  	s30 =	sadd.s32 $0x3, s12;
	v5 =	vsel vm13, s29, v5;
	vm11 =	vgt.f32 v6, v2  }
0x5c: {  	s31 =	sadd.s32 $0x4, s12;
	v5 =	vsel vm14, s30, v5;
	v2 =	vsel vm11, v6, v2;
	v6 =	vld [tilespmem:s13+$0x40]  }
0x5d: {  	s15 =	sadd.s32 $0x5, s12;
	v5 =	vsel vm15, s31, v5;
	vm12 =	vgt.f32 v3, v2  }
0x5e: {  	s16 =	sadd.s32 $0x6, s12;
	v5 =	vsel vm3, s15, v5;
	v2 =	vsel vm12, v3, v2;
	v3 =	vld [tilespmem:s13+$0x50]  }
0x5f: {  	s17 =	sadd.s32 $0x7, s12;
	v5 =	vsel vm9, s16, v5;
	vm3 =	vgt.f32 v4, v2  }
0x60: {  	s18 =	sadd.s32 $0x8, s12;
	v5 =	vsel vm10, s17, v5;
	v2 =	vsel vm3, v4, v2;
	v4 =	vld [tilespmem:s13+$0x60]  }
0x61: {  	s19 =	sadd.s32 $0x9, s12;
	v5 =	vsel vm11, s18, v5;
	vm9 =	vgt.f32 v6, v2  }
0x62: {  	s20 =	sadd.s32 $0xA, s12;
	v5 =	vsel vm12, s19, v5;
	v2 =	vsel vm9, v6, v2  }
0x63: {  	s21 =	sadd.s32 $0xB, s12;
	v5 =	vsel vm3, s20, v5;
	vm3 =	vgt.f32 v3, v2  }
0x64: {  	s22 =	sadd.s32 $0xC, s12;
	v5 =	vsel vm9, s21, v5;
	v2 =	vsel vm3, v3, v2  }
0x65: {  	s23 =	sadd.s32 $0xD, s12;
	v3 =	vsel vm3, s22, v5;
	vm3 =	vgt.f32 v4, v2  }
0x66: {  	v3 =	vsel vm3, s23, v3  }
0x67: {  	(v2sf) =	vpush v3, $0xD;
	_ =	sdelay $0x1  }
0x68: {  	(v2sf) =	vpush v3, $0xC;
	_ =	sdelay $0x1  }
0x69: {  	(v2sf) =	vpush v3, $0xE  }
0x6a: {  	(v2sf) =	vpush v3, $0xF  }
0x6b: {  	(v2sf) =	vpush v3, $0x9;
	_ =	sdelay $0x1  }
0x6c: {  	(v2sf) =	vpush v3, $0x8;
	_ =	sdelay $0x1  }
0x6d: {  	(v2sf) =	vpush v3, $0xA;
	_ =	sdelay $0x1  }
0x6e: {  	(v2sf) =	vpush v3, $0xB;
	_ =	sdelay $0x1  }
0x6f: {  	(v2sf) =	vpush v3, $0x1  }
0x70: {  	s24 =	spop (v2sf);
	(v2sf) =	vpush v3, $0x0  }
0x71: {  	s25 =	smulhi.u32 $0x92492493, s24;
	s26 =	sshra.s32 s24, $0x1F  }
0x72: {  	s28 =	spop (v2sf);
	s14 =	smul.u32 $0x92492493, s26  }
0x73: {  	s17 =	smulhi.u32 $0x92492493, s28;
	s18 =	sshra.s32 s28, $0x1F  }
0x74: {  	s16 =	spop (v2sf);
	s18 =	smul.u32 $0x92492493, s18  }
0x75: {  	(v2sf) =	vpush v3, $0x2;
	s19 =	spop (v2sf);
	s20 =	smulhi.u32 $0x92492493, s16;
	s21 =	sshra.s32 s16, $0x1F  }
0x76: {  	s12 =	ssub.s32 s25, s24;
	s22 =	spop (v2sf);
	s21 =	smul.u32 $0x92492493, s21  }
0x77: {  	(v2sf) =	vpush v3, $0x3;
	s24 =	smulhi.u32 $0x92492493, s19;
	s29 =	sshra.s32 s19, $0x1F;
	s12 =	sadd.s32 s14, s12  }
0x78: {  	s30 =	ssub.s32 s17, s28;
	s23 =	spop (v2sf);
	s17 =	smul.u32 $0x92492493, s29  }
0x79: {  	(v2sf) =	vpush v3, $0x4;
	s25 =	smulhi.u32 $0x92492493, s22;
	s31 =	sshra.s32 s22, $0x1F;
	s15 =	sadd.s32 s18, s30  }
0x7a: {  	s20 =	ssub.s32 s20, s16;
	s26 =	spop (v2sf);
	s16 =	smul.u32 $0x92492493, s31  }
0x7b: {  	(v2sf) =	vpush v3, $0x5;
	s18 =	smulhi.u32 $0x92492493, s23;
	s29 =	sshra.s32 s23, $0x1F;
	s13 =	sadd.s32 s21, s20  }
0x7c: {  	s30 =	ssub.s32 s24, s19;
	s28 =	spop (v2sf);
	s19 =	smul.u32 $0x92492493, s29  }
0x7d: {  	(v2sf) =	vpush v3, $0x6;
	s20 =	smulhi.u32 $0x92492493, s26;
	s31 =	sshra.s32 s26, $0x1F;
	s14 =	sadd.s32 s17, s30  }
0x7e: {  	s25 =	ssub.s32 s25, s22;
	s24 =	spop (v2sf);
	s21 =	smul.u32 $0x92492493, s31  }
0x7f: {  	s22 =	smulhi.u32 $0x92492493, s28;
	s31 =	sshra.s32 s28, $0x1F;
	s29 =	spop (v2sf);
	(v2sf) =	vpush v3, $0x7  }
0x80: {  	s16 =	sadd.s32 s16, s25;
	s18 =	ssub.s32 s18, s23;
	s17 =	smul.u32 $0x92492493, s31  }
0x81: {  	s23 =	smulhi.u32 $0x92492493, s24;
	s31 =	sshra.s32 s24, $0x1F;
	s26 =	ssub.s32 s20, s26  }
0x82: {  	s18 =	sadd.s32 s19, s18;
	s20 =	smul.u32 $0x92492493, s31;
	s19 =	sadd.s32 s21, s26  }
0x83: {  	s22 =	ssub.s32 s22, s28;
	s21 =	smulhi.u32 $0x92492493, s29;
	s31 =	sshra.s32 s29, $0x1F  }
0x84: {  	s23 =	ssub.s32 s23, s24;
	s30 =	spop (v2sf);
	s25 =	smul.u32 $0x92492493, s31  }
0x85: {  	s17 =	sadd.s32 s17, s22;
	s24 =	smulhi.u32 $0x92492493, s30;
	s31 =	sshra.s32 s30, $0x1F  }
0x86: {  	s20 =	sadd.s32 s20, s23;
	s26 =	spop (v2sf);
	s22 =	smul.u32 $0x92492493, s31  }
0x87: {  	s21 =	ssub.s32 s21, s29;
	s23 =	smulhi.u32 $0x92492493, s26;
	s31 =	sshra.s32 s26, $0x1F  }
0x88: {  	s29 =	spop (v2sf);
	s21 =	sadd.s32 s25, s21;
	s25 =	smul.u32 $0x92492493, s31  }
0x89: {  	s24 =	ssub.s32 s24, s30;
	s28 =	smulhi.u32 $0x92492493, s29;
	s31 =	sshra.s32 s29, $0x1F  }
0x8a: {  	s22 =	sadd.s32 s22, s24;
	s24 =	spop (v2sf);
	s30 =	smul.u32 $0x92492493, s31  }
0x8b: {  	vm3 =	vcmask $0x300;
	v2 =	vmov s21;
	s26 =	ssub.s32 s23, s26;
	s23 =	smulhi.u32 $0x92492493, s24;
	s31 =	sshra.s32 s24, $0x1F  }
0x8c: {  	s21 =	sadd.s32 s25, s26;
	s25 =	spop (v2sf);
	v2 =	vnsel vm3, $0x0, v2;
	s26 =	smul.u32 $0x92492493, s31  }
0x8d: {  	v2 =	vsel vm0, s20, v2;
	s20 =	ssub.s32 s28, s29;
	s28 =	smulhi.u32 $0x92492493, s25;
	s31 =	sshra.s32 s25, $0x1F  }
0x8e: {  	v4 =	vmov s15;
	v5 =	vmov s18;
	v2 =	vsel vm1, s22, v2;
	s20 =	sadd.s32 s30, s20;
	s30 =	smul.u32 $0x92492493, s31;
	s31 =	spop (v2sf)  }
0x8f: {  	v4 =	vsel vm0, s12, v4;
	v5 =	vsel vm0, s16, v5;
	v2 =	vsel vm2, s21, v2;
	s21 =	ssub.s32 s23, s24;
	s22 =	smulhi.u32 $0x92492493, s31;
	s23 =	sshra.s32 s31, $0x1F  }
0x90: {  	v4 =	vsel vm1, s13, v4;
	v5 =	vsel vm1, s19, v5;
	s24 =	ssub.s32 s28, s25;
	v2 =	vsel vm4, s20, v2;
	s12 =	sadd.s32 s26, s21;
	s25 =	smul.u32 $0x92492493, s23  }
0x91: {  	v4 =	vsel vm2, s14, v4;
	v5 =	vsel vm2, s17, v5;
	s26 =	sadd.s32 s30, s24;
	v2 =	vsel vm5, s12, v2;
	s28 =	ssub.s32 s22, s31  }
0x92: {  	v4 =	vcombine.low v5, v4;
	v2 =	vsel vm6, s26, v2;
	s29 =	sadd.s32 s25, s28  }
0x93: {  	v2 =	vsel vm7, s29, v2  }
0x94: {  	v4 =	vperm.xlane v4, v0;
	v2 =	vperm.xlane v2, v1;
	_ =	sdelay $0x1  }
0x95: {  	v2 =	vsel vm8, v2, v4  }
0x96: {  	v2 =	vadd.s32 v3, v2  }
0x97: {  	s30 =	simm.s32 $0x0;
	v4 =	vshrl.u32 v2, $0x1F;
	v2 =	vshra.s32 v2, $0x3  }
0x98: {  	v2 =	vadd.s32 v4, v2;
	v4 =	vmov s30  }
0x99: {  	v5 =	vmul.u32 $0xFFFFFFF2, v2;
	v4 =	vcvt.s32.f32 v4;
	_ =	sdelay $0x1  }
0x9a: {  	v2 =	vcvt.s32.f32 v2;
	v3 =	vadd.s32 v3, v5;
	v4 =	vbroadcast v4, $0x0  }
0x9b: {  	v16 =	vcvt.s32.f32 v3  }
0x9c: {  	v4 =	vsub.f32 v4, v2  }
0x9d: {  	v3 =	vxor.u32 $0x80000000, v16  }
0x9e: {  	v3 =	vand.u32 $0x7FFFFFFF, v3;
	v17 =	vand.u32 $0x7FFFFFFF, v4  }
0x9f: {  	v4 =	vadd.f32 v17, v3;
	_ =	sdelay $0x1  }
0xa0: {  	v4 =	vmul.f32 $2.857142980e-01, v4  }
0xa1: {  	s12 =	simm.s32 $0x70  }
0xa2: {  	v5 =	vld [tilespmem:s12+$0xFFFFFF90];
	v4 =	vsub.f32 $1.000000000e+00, v4  }
0xa3: {  	v6 =	vsub.f32 $1.000000000e+00, v16  }
0xa4: {  	v7 =	vmax.f32 v4, $-1.000000000e+00  }
0xa5: {  	v4 =	vand.u32 $0x7FFFFFFF, v6;
	v6 =	vmul.f32 $2.551020360e-03, v7  }
0xa6: {  	v7 =	vadd.f32 v17, v4  }
0xa7: {  	v5 =	vmul.f32 v5, v6  }
0xa8: {  	s13 =	simm.s32 $0xCB0;
	v6 =	vmul.f32 $2.857142980e-01, v7  }
0xa9: {  	[tilespmem:s13+$0xFFFFFF90] =	vst v5  }
0xaa: {  	v5 =	vsub.f32 $1.000000000e+00, v6;
	v6 =	vld [tilespmem:s12+$0xFFFFFFA0]  }
0xab: {  	v7 =	vsub.f32 $2.000000000e+00, v16  }
0xac: {  	v8 =	vmax.f32 v5, $-1.000000000e+00  }
0xad: {  	v5 =	vand.u32 $0x7FFFFFFF, v7;
	v7 =	vmul.f32 $2.551020360e-03, v8  }
0xae: {  	v8 =	vadd.f32 v17, v5  }
0xaf: {  	v6 =	vmul.f32 v6, v7  }
0xb0: {  	v7 =	vmul.f32 $2.857142980e-01, v8  }
0xb1: {  	[tilespmem:s13+$0xFFFFFFA0] =	vst v6  }
0xb2: {  	v6 =	vsub.f32 $1.000000000e+00, v7;
	v7 =	vld [tilespmem:s12+$0xFFFFFFB0]  }
0xb3: {  	v8 =	vsub.f32 $3.000000000e+00, v16  }
0xb4: {  	v9 =	vmax.f32 v6, $-1.000000000e+00  }
0xb5: {  	v6 =	vand.u32 $0x7FFFFFFF, v8;
	v8 =	vmul.f32 $2.551020360e-03, v9  }
0xb6: {  	v9 =	vadd.f32 v17, v6  }
0xb7: {  	v7 =	vmul.f32 v7, v8  }
0xb8: {  	v8 =	vmul.f32 $2.857142980e-01, v9  }
0xb9: {  	[tilespmem:s13+$0xFFFFFFB0] =	vst v7  }
0xba: {  	v7 =	vsub.f32 $1.000000000e+00, v8;
	v8 =	vld [tilespmem:s12+$0xFFFFFFC0]  }
0xbb: {  	v9 =	vsub.f32 $4.000000000e+00, v16  }
0xbc: {  	v10 =	vmax.f32 v7, $-1.000000000e+00  }
0xbd: {  	v7 =	vand.u32 $0x7FFFFFFF, v9;
	v9 =	vmul.f32 $2.551020360e-03, v10  }
0xbe: {  	v10 =	vadd.f32 v17, v7  }
0xbf: {  	v8 =	vmul.f32 v8, v9  }
0xc0: {  	v9 =	vmul.f32 $2.857142980e-01, v10  }
0xc1: {  	[tilespmem:s13+$0xFFFFFFC0] =	vst v8  }
0xc2: {  	v8 =	vsub.f32 $1.000000000e+00, v9;
	v9 =	vld [tilespmem:s12+$0xFFFFFFD0]  }
0xc3: {  	v10 =	vsub.f32 $5.000000000e+00, v16  }
0xc4: {  	v11 =	vmax.f32 v8, $-1.000000000e+00  }
0xc5: {  	v8 =	vand.u32 $0x7FFFFFFF, v10;
	v10 =	vmul.f32 $2.551020360e-03, v11  }
0xc6: {  	v11 =	vadd.f32 v17, v8  }
0xc7: {  	v9 =	vmul.f32 v9, v10  }
0xc8: {  	v10 =	vmul.f32 $2.857142980e-01, v11  }
0xc9: {  	[tilespmem:s13+$0xFFFFFFD0] =	vst v9  }
0xca: {  	v9 =	vsub.f32 $1.000000000e+00, v10;
	v10 =	vld [tilespmem:s12+$0xFFFFFFE0]  }
0xcb: {  	v11 =	vsub.f32 $6.000000000e+00, v16  }
0xcc: {  	v12 =	vmax.f32 v9, $-1.000000000e+00  }
0xcd: {  	v9 =	vand.u32 $0x7FFFFFFF, v11;
	v11 =	vmul.f32 $2.551020360e-03, v12  }
0xce: {  	v12 =	vadd.f32 v17, v9  }
0xcf: {  	v10 =	vmul.f32 v10, v11  }
0xd0: {  	v11 =	vmul.f32 $2.857142980e-01, v12  }
0xd1: {  	[tilespmem:s13+$0xFFFFFFE0] =	vst v10  }
0xd2: {  	v10 =	vsub.f32 $1.000000000e+00, v11;
	v11 =	vld [tilespmem:s12+$0xFFFFFFF0]  }
0xd3: {  	v12 =	vsub.f32 $7.000000000e+00, v16  }
0xd4: {  	v13 =	vmax.f32 v10, $-1.000000000e+00  }
0xd5: {  	v10 =	vand.u32 $0x7FFFFFFF, v12;
	v12 =	vmul.f32 $2.551020360e-03, v13  }
0xd6: {  	v13 =	vadd.f32 v17, v10  }
0xd7: {  	v11 =	vmul.f32 v11, v12  }
0xd8: {  	v12 =	vmul.f32 $2.857142980e-01, v13  }
0xd9: {  	[tilespmem:s13+$0xFFFFFFF0] =	vst v11  }
0xda: {  	v11 =	vsub.f32 $1.000000000e+00, v12;
	v12 =	vld [tilespmem:s12+$0x0]  }
0xdb: {  	v13 =	vsub.f32 $8.000000000e+00, v16  }
0xdc: {  	v14 =	vmax.f32 v11, $-1.000000000e+00  }
0xdd: {  	v11 =	vand.u32 $0x7FFFFFFF, v13;
	v13 =	vmul.f32 $2.551020360e-03, v14  }
0xde: {  	v14 =	vadd.f32 v17, v11  }
0xdf: {  	v12 =	vmul.f32 v12, v13  }
0xe0: {  	v13 =	vmul.f32 $2.857142980e-01, v14  }
0xe1: {  	[tilespmem:s13+$0x0] =	vst v12  }
0xe2: {  	v12 =	vsub.f32 $1.000000000e+00, v13;
	v13 =	vld [tilespmem:s12+$0x10]  }
0xe3: {  	v14 =	vsub.f32 $9.000000000e+00, v16  }
0xe4: {  	v15 =	vmax.f32 v12, $-1.000000000e+00  }
0xe5: {  	v12 =	vand.u32 $0x7FFFFFFF, v14;
	v14 =	vmul.f32 $2.551020360e-03, v15  }
0xe6: {  	v15 =	vadd.f32 v17, v12  }
0xe7: {  	v13 =	vmul.f32 v13, v14  }
0xe8: {  	v14 =	vmul.f32 $2.857142980e-01, v15  }
0xe9: {  	[tilespmem:s13+$0x10] =	vst v13  }
0xea: {  	v13 =	vsub.f32 $1.000000000e+00, v14;
	v14 =	vld [tilespmem:s12+$0x20]  }
0xeb: {  	v15 =	vsub.f32 $1.000000000e+01, v16  }
0xec: {  	v18 =	vmax.f32 v13, $-1.000000000e+00  }
0xed: {  	v13 =	vand.u32 $0x7FFFFFFF, v15;
	v15 =	vmul.f32 $2.551020360e-03, v18  }
0xee: {  	v18 =	vadd.f32 v17, v13  }
0xef: {  	v14 =	vmul.f32 v14, v15  }
0xf0: {  	v15 =	vmul.f32 $2.857142980e-01, v18  }
0xf1: {  	[tilespmem:s13+$0x20] =	vst v14  }
0xf2: {  	v14 =	vsub.f32 $1.000000000e+00, v15;
	v18 =	vld [tilespmem:s12+$0x30]  }
0xf3: {  	v15 =	vsub.f32 $1.100000000e+01, v16  }
0xf4: {  	v14 =	vmax.f32 v14, $-1.000000000e+00  }
0xf5: {  	v15 =	vand.u32 $0x7FFFFFFF, v15;
	v14 =	vmul.f32 $2.551020360e-03, v14  }
0xf6: {  	v19 =	vadd.f32 v17, v15  }
0xf7: {  	v14 =	vmul.f32 v18, v14  }
0xf8: {  	v19 =	vmul.f32 $2.857142980e-01, v19;
	v18 =	vsub.f32 $1.200000000e+01, v16  }
0xf9: {  	[tilespmem:s13+$0x30] =	vst v14  }
0xfa: {  	v14 =	vand.u32 $0x7FFFFFFF, v18;
	v18 =	vsub.f32 $1.000000000e+00, v19;
	v19 =	vld [tilespmem:s12+$0x40];
	_ =	sdelay $0x1  }
0xfb: {  	v18 =	vmax.f32 v18, $-1.000000000e+00  }
0xfc: {  	v18 =	vmul.f32 $2.551020360e-03, v18  }
0xfd: {  	v20 =	vadd.f32 v17, v14  }
0xfe: {  	v18 =	vmul.f32 v19, v18  }
0xff: {  	v20 =	vmul.f32 $2.857142980e-01, v20  }
0x100: {  	[tilespmem:s13+$0x40] =	vst v18  }
0x101: {  	v19 =	vsub.f32 $1.000000000e+00, v20;
	v18 =	vld [tilespmem:s12+$0x50]  }
0x102: {  	v16 =	vsub.f32 $1.300000000e+01, v16  }
0x103: {  	v19 =	vmax.f32 v19, $-1.000000000e+00  }
0x104: {  	s31 =	simm.s32 $0x1;
	v16 =	vand.u32 $0x7FFFFFFF, v16;
	v19 =	vmul.f32 $2.551020360e-03, v19  }
0x105: {  	s14 =	simm.s32 $0x2;
	v17 =	vadd.f32 v17, v16;
	v20 =	vmov s31  }
.LBB2_4:
0x106: {  	p0 =	sne.s32 s14, $0xD;
	v20 =	vcvt.s32.f32 v20;
	v18 =	vmul.f32 v18, v19  }
0x107: {  	v17 =	vmul.f32 $2.857142980e-01, v17  }
0x108: {  	v19 =	vbroadcast v20, $0x0;
	[tilespmem:s13+$0x50] =	vst v18  }
0x109: {  	v17 =	vsub.f32 $1.000000000e+00, v17;
	v18 =	vld [tilespmem:s12+$0x60]  }
0x10a: {  	v19 =	vsub.f32 v19, v2  }
0x10b: {  	v20 =	vmax.f32 v17, $-1.000000000e+00  }
0x10c: {  	v17 =	vand.u32 $0x7FFFFFFF, v19;
	v19 =	vmul.f32 $2.551020360e-03, v20  }
0x10d: {  	v20 =	vadd.f32 v17, v3  }
0x10e: {  	v18 =	vmul.f32 v18, v19  }
0x10f: {  	v19 =	vmul.f32 $2.857142980e-01, v20  }
0x110: {  	s12 =	sadd.s32 $0xE0, s12;
	[tilespmem:s13+$0x60] =	vst v18  }
0x111: {  	v18 =	vsub.f32 $1.000000000e+00, v19;
	v19 =	vld [tilespmem:s12+$0xFFFFFF90];
	_ =	sdelay $0x1  }
0x112: {  	v18 =	vmax.f32 v18, $-1.000000000e+00  }
0x113: {  	v18 =	vmul.f32 $2.551020360e-03, v18  }
0x114: {  	v20 =	vadd.f32 v17, v4  }
0x115: {  	v18 =	vmul.f32 v19, v18  }
0x116: {  	s13 =	sadd.s32 $0xE0, s13;
	v19 =	vmul.f32 $2.857142980e-01, v20  }
0x117: {  	[tilespmem:s13+$0xFFFFFF90] =	vst v18  }
0x118: {  	v18 =	vsub.f32 $1.000000000e+00, v19;
	v19 =	vld [tilespmem:s12+$0xFFFFFFA0];
	_ =	sdelay $0x1  }
0x119: {  	v18 =	vmax.f32 v18, $-1.000000000e+00  }
0x11a: {  	v18 =	vmul.f32 $2.551020360e-03, v18  }
0x11b: {  	v20 =	vadd.f32 v17, v5  }
0x11c: {  	v18 =	vmul.f32 v19, v18  }
0x11d: {  	v19 =	vmul.f32 $2.857142980e-01, v20  }
0x11e: {  	[tilespmem:s13+$0xFFFFFFA0] =	vst v18  }
0x11f: {  	v18 =	vsub.f32 $1.000000000e+00, v19;
	v19 =	vld [tilespmem:s12+$0xFFFFFFB0];
	_ =	sdelay $0x1  }
0x120: {  	v18 =	vmax.f32 v18, $-1.000000000e+00  }
0x121: {  	v18 =	vmul.f32 $2.551020360e-03, v18  }
0x122: {  	v20 =	vadd.f32 v17, v6  }
0x123: {  	v18 =	vmul.f32 v19, v18  }
0x124: {  	v19 =	vmul.f32 $2.857142980e-01, v20  }
0x125: {  	[tilespmem:s13+$0xFFFFFFB0] =	vst v18  }
0x126: {  	v18 =	vsub.f32 $1.000000000e+00, v19;
	v19 =	vld [tilespmem:s12+$0xFFFFFFC0];
	_ =	sdelay $0x1  }
0x127: {  	v18 =	vmax.f32 v18, $-1.000000000e+00  }
0x128: {  	v18 =	vmul.f32 $2.551020360e-03, v18  }
0x129: {  	v20 =	vadd.f32 v17, v7  }
0x12a: {  	v18 =	vmul.f32 v19, v18  }
0x12b: {  	v19 =	vmul.f32 $2.857142980e-01, v20  }
0x12c: {  	[tilespmem:s13+$0xFFFFFFC0] =	vst v18  }
0x12d: {  	v18 =	vsub.f32 $1.000000000e+00, v19;
	v19 =	vld [tilespmem:s12+$0xFFFFFFD0];
	_ =	sdelay $0x1  }
0x12e: {  	v18 =	vmax.f32 v18, $-1.000000000e+00  }
0x12f: {  	v18 =	vmul.f32 $2.551020360e-03, v18  }
0x130: {  	v20 =	vadd.f32 v17, v8  }
0x131: {  	v18 =	vmul.f32 v19, v18  }
0x132: {  	v19 =	vmul.f32 $2.857142980e-01, v20  }
0x133: {  	[tilespmem:s13+$0xFFFFFFD0] =	vst v18  }
0x134: {  	v18 =	vsub.f32 $1.000000000e+00, v19;
	v19 =	vld [tilespmem:s12+$0xFFFFFFE0];
	_ =	sdelay $0x1  }
0x135: {  	v18 =	vmax.f32 v18, $-1.000000000e+00  }
0x136: {  	v18 =	vmul.f32 $2.551020360e-03, v18  }
0x137: {  	v20 =	vadd.f32 v17, v9  }
0x138: {  	v18 =	vmul.f32 v19, v18  }
0x139: {  	v19 =	vmul.f32 $2.857142980e-01, v20  }
0x13a: {  	[tilespmem:s13+$0xFFFFFFE0] =	vst v18  }
0x13b: {  	v18 =	vsub.f32 $1.000000000e+00, v19;
	v19 =	vld [tilespmem:s12+$0xFFFFFFF0];
	_ =	sdelay $0x1  }
0x13c: {  	v18 =	vmax.f32 v18, $-1.000000000e+00  }
0x13d: {  	v18 =	vmul.f32 $2.551020360e-03, v18  }
0x13e: {  	v20 =	vadd.f32 v17, v10  }
0x13f: {  	v18 =	vmul.f32 v19, v18  }
0x140: {  	v19 =	vmul.f32 $2.857142980e-01, v20  }
0x141: {  	[tilespmem:s13+$0xFFFFFFF0] =	vst v18  }
0x142: {  	v18 =	vsub.f32 $1.000000000e+00, v19;
	v19 =	vld [tilespmem:s12+$0x0];
	_ =	sdelay $0x1  }
0x143: {  	v18 =	vmax.f32 v18, $-1.000000000e+00  }
0x144: {  	v18 =	vmul.f32 $2.551020360e-03, v18  }
0x145: {  	v20 =	vadd.f32 v17, v11  }
0x146: {  	v18 =	vmul.f32 v19, v18  }
0x147: {  	v19 =	vmul.f32 $2.857142980e-01, v20  }
0x148: {  	[tilespmem:s13+$0x0] =	vst v18  }
0x149: {  	v18 =	vsub.f32 $1.000000000e+00, v19;
	v19 =	vld [tilespmem:s12+$0x10];
	_ =	sdelay $0x1  }
0x14a: {  	v18 =	vmax.f32 v18, $-1.000000000e+00  }
0x14b: {  	v18 =	vmul.f32 $2.551020360e-03, v18  }
0x14c: {  	v20 =	vadd.f32 v17, v12  }
0x14d: {  	v18 =	vmul.f32 v19, v18  }
0x14e: {  	v19 =	vmul.f32 $2.857142980e-01, v20  }
0x14f: {  	[tilespmem:s13+$0x10] =	vst v18  }
0x150: {  	v18 =	vsub.f32 $1.000000000e+00, v19;
	v19 =	vld [tilespmem:s12+$0x20];
	_ =	sdelay $0x1  }
0x151: {  	v18 =	vmax.f32 v18, $-1.000000000e+00  }
0x152: {  	v18 =	vmul.f32 $2.551020360e-03, v18  }
0x153: {  	v20 =	vadd.f32 v17, v13  }
0x154: {  	v18 =	vmul.f32 v19, v18  }
0x155: {  	v19 =	vmul.f32 $2.857142980e-01, v20  }
0x156: {  	[tilespmem:s13+$0x20] =	vst v18  }
0x157: {  	v18 =	vsub.f32 $1.000000000e+00, v19;
	v19 =	vld [tilespmem:s12+$0x30];
	_ =	sdelay $0x1  }
0x158: {  	v18 =	vmax.f32 v18, $-1.000000000e+00  }
0x159: {  	v18 =	vmul.f32 $2.551020360e-03, v18  }
0x15a: {  	v20 =	vadd.f32 v17, v15  }
0x15b: {  	v18 =	vmul.f32 v19, v18  }
0x15c: {  	v19 =	vmul.f32 $2.857142980e-01, v20  }
0x15d: {  	[tilespmem:s13+$0x30] =	vst v18  }
0x15e: {  	v18 =	vsub.f32 $1.000000000e+00, v19;
	v19 =	vld [tilespmem:s12+$0x40];
	_ =	sdelay $0x1  }
0x15f: {  	v18 =	vmax.f32 v18, $-1.000000000e+00  }
0x160: {  	v18 =	vmul.f32 $2.551020360e-03, v18  }
0x161: {  	v20 =	vadd.f32 v17, v14  }
0x162: {  	v18 =	vmul.f32 v19, v18  }
0x163: {  	v19 =	vmul.f32 $2.857142980e-01, v20  }
0x164: {  	[tilespmem:s13+$0x40] =	vst v18  }
.Ltmp1:
0x165: {  	v19 =	vsub.f32 $1.000000000e+00, v19;
	v18 =	vld [tilespmem:s12+$0x50];
	(pc) =	sbr.rel @p0 .LBB2_4-.Ltmp1, $4  }
0x166: {  	_ = 	snop  }
0x167: {  	v19 =	vmax.f32 v19, $-1.000000000e+00  }
0x168: {  	v19 =	vmul.f32 $2.551020360e-03, v19  }
0x169: {  	v17 =	vadd.f32 v17, v16;
	v20 =	vmov s14;
	s14 =	sadd.s32 $0x1, s14  }
0x16a: {  	v20 =	vcvt.s32.f32 v20;
	v18 =	vmul.f32 v18, v19  }
0x16b: {  	v17 =	vmul.f32 $2.857142980e-01, v17  }
0x16c: {  	v30 =	vbroadcast v20, $0x0;
	[tilespmem:s13+$0x50] =	vst v18  }
0x16d: {  	v17 =	vsub.f32 $1.000000000e+00, v17;
	v18 =	vld [tilespmem:s12+$0x60]  }
0x16e: {  	v2 =	vsub.f32 v30, v2  }
0x16f: {  	v17 =	vmax.f32 v17, $-1.000000000e+00  }
0x170: {  	v2 =	vand.u32 $0x7FFFFFFF, v2;
	v17 =	vmul.f32 $2.551020360e-03, v17  }
0x171: {  	v3 =	vadd.f32 v2, v3  }
0x172: {  	v17 =	vmul.f32 v18, v17  }
0x173: {  	v3 =	vmul.f32 $2.857142980e-01, v3  }
0x174: {  	s30 =	sadd.s32 $0xE0, s12;
	[tilespmem:s13+$0x60] =	vst v17  }
0x175: {  	v3 =	vsub.f32 $1.000000000e+00, v3;
	v17 =	vld [tilespmem:s30+$0xFFFFFF90];
	_ =	sdelay $0x1  }
0x176: {  	v3 =	vmax.f32 v3, $-1.000000000e+00  }
0x177: {  	v3 =	vmul.f32 $2.551020360e-03, v3  }
0x178: {  	v4 =	vadd.f32 v2, v4  }
0x179: {  	v3 =	vmul.f32 v17, v3  }
0x17a: {  	s31 =	sadd.s32 $0xE0, s13;
	v4 =	vmul.f32 $2.857142980e-01, v4  }
0x17b: {  	[tilespmem:s31+$0xFFFFFF90] =	vst v3  }
0x17c: {  	v3 =	vsub.f32 $1.000000000e+00, v4;
	v31 =	vld [tilespmem:s30+$0xFFFFFFA0];
	_ =	sdelay $0x1  }
0x17d: {  	v3 =	vmax.f32 v3, $-1.000000000e+00  }
0x17e: {  	v3 =	vmul.f32 $2.551020360e-03, v3  }
0x17f: {  	v5 =	vadd.f32 v2, v5  }
0x180: {  	v3 =	vmul.f32 v31, v3  }
0x181: {  	v32 =	vmul.f32 $2.857142980e-01, v5  }
0x182: {  	[tilespmem:s31+$0xFFFFFFA0] =	vst v3  }
0x183: {  	v3 =	vsub.f32 $1.000000000e+00, v32;
	v33 =	vld [tilespmem:s30+$0xFFFFFFB0];
	_ =	sdelay $0x1  }
0x184: {  	v3 =	vmax.f32 v3, $-1.000000000e+00  }
0x185: {  	v3 =	vmul.f32 $2.551020360e-03, v3  }
0x186: {  	v34 =	vadd.f32 v2, v6  }
0x187: {  	v3 =	vmul.f32 v33, v3  }
0x188: {  	v35 =	vmul.f32 $2.857142980e-01, v34  }
0x189: {  	[tilespmem:s31+$0xFFFFFFB0] =	vst v3  }
0x18a: {  	v3 =	vsub.f32 $1.000000000e+00, v35;
	v36 =	vld [tilespmem:s30+$0xFFFFFFC0];
	_ =	sdelay $0x1  }
0x18b: {  	v3 =	vmax.f32 v3, $-1.000000000e+00  }
0x18c: {  	v3 =	vmul.f32 $2.551020360e-03, v3  }
0x18d: {  	v37 =	vadd.f32 v2, v7  }
0x18e: {  	v3 =	vmul.f32 v36, v3  }
0x18f: {  	v38 =	vmul.f32 $2.857142980e-01, v37  }
0x190: {  	[tilespmem:s31+$0xFFFFFFC0] =	vst v3  }
0x191: {  	v3 =	vsub.f32 $1.000000000e+00, v38;
	v39 =	vld [tilespmem:s30+$0xFFFFFFD0];
	_ =	sdelay $0x1  }
0x192: {  	v3 =	vmax.f32 v3, $-1.000000000e+00  }
0x193: {  	v3 =	vmul.f32 $2.551020360e-03, v3  }
0x194: {  	v40 =	vadd.f32 v2, v8  }
0x195: {  	v3 =	vmul.f32 v39, v3  }
0x196: {  	v41 =	vmul.f32 $2.857142980e-01, v40  }
0x197: {  	[tilespmem:s31+$0xFFFFFFD0] =	vst v3  }
0x198: {  	v3 =	vsub.f32 $1.000000000e+00, v41;
	v42 =	vld [tilespmem:s30+$0xFFFFFFE0];
	_ =	sdelay $0x1  }
0x199: {  	v3 =	vmax.f32 v3, $-1.000000000e+00  }
0x19a: {  	v3 =	vmul.f32 $2.551020360e-03, v3  }
0x19b: {  	v43 =	vadd.f32 v2, v9  }
0x19c: {  	v3 =	vmul.f32 v42, v3  }
0x19d: {  	v44 =	vmul.f32 $2.857142980e-01, v43  }
0x19e: {  	[tilespmem:s31+$0xFFFFFFE0] =	vst v3  }
0x19f: {  	v3 =	vsub.f32 $1.000000000e+00, v44;
	v45 =	vld [tilespmem:s30+$0xFFFFFFF0];
	_ =	sdelay $0x1  }
0x1a0: {  	v3 =	vmax.f32 v3, $-1.000000000e+00  }
0x1a1: {  	v3 =	vmul.f32 $2.551020360e-03, v3  }
0x1a2: {  	v46 =	vadd.f32 v2, v10  }
0x1a3: {  	v3 =	vmul.f32 v45, v3  }
0x1a4: {  	v47 =	vmul.f32 $2.857142980e-01, v46  }
0x1a5: {  	[tilespmem:s31+$0xFFFFFFF0] =	vst v3  }
0x1a6: {  	v3 =	vsub.f32 $1.000000000e+00, v47;
	v48 =	vld [tilespmem:s30+$0x0];
	_ =	sdelay $0x1  }
0x1a7: {  	v3 =	vmax.f32 v3, $-1.000000000e+00  }
0x1a8: {  	v3 =	vmul.f32 $2.551020360e-03, v3  }
0x1a9: {  	v49 =	vadd.f32 v2, v11  }
0x1aa: {  	v3 =	vmul.f32 v48, v3  }
0x1ab: {  	v50 =	vmul.f32 $2.857142980e-01, v49  }
0x1ac: {  	[tilespmem:s31+$0x0] =	vst v3  }
0x1ad: {  	v3 =	vsub.f32 $1.000000000e+00, v50;
	v51 =	vld [tilespmem:s30+$0x10];
	_ =	sdelay $0x1  }
0x1ae: {  	v3 =	vmax.f32 v3, $-1.000000000e+00  }
0x1af: {  	v3 =	vmul.f32 $2.551020360e-03, v3  }
0x1b0: {  	v52 =	vadd.f32 v2, v12  }
0x1b1: {  	v3 =	vmul.f32 v51, v3  }
0x1b2: {  	v53 =	vmul.f32 $2.857142980e-01, v52  }
0x1b3: {  	[tilespmem:s31+$0x10] =	vst v3  }
0x1b4: {  	v3 =	vsub.f32 $1.000000000e+00, v53;
	v54 =	vld [tilespmem:s30+$0x20];
	_ =	sdelay $0x1  }
0x1b5: {  	v3 =	vmax.f32 v3, $-1.000000000e+00  }
0x1b6: {  	v3 =	vmul.f32 $2.551020360e-03, v3  }
0x1b7: {  	v55 =	vadd.f32 v2, v13  }
0x1b8: {  	v3 =	vmul.f32 v54, v3  }
0x1b9: {  	v56 =	vmul.f32 $2.857142980e-01, v55  }
0x1ba: {  	[tilespmem:s31+$0x20] =	vst v3  }
0x1bb: {  	v3 =	vsub.f32 $1.000000000e+00, v56;
	v57 =	vld [tilespmem:s30+$0x30];
	_ =	sdelay $0x1  }
0x1bc: {  	v3 =	vmax.f32 v3, $-1.000000000e+00  }
0x1bd: {  	v3 =	vmul.f32 $2.551020360e-03, v3  }
0x1be: {  	v58 =	vadd.f32 v2, v15  }
0x1bf: {  	v3 =	vmul.f32 v57, v3  }
0x1c0: {  	v59 =	vmul.f32 $2.857142980e-01, v58  }
0x1c1: {  	[tilespmem:s31+$0x30] =	vst v3  }
0x1c2: {  	v3 =	vsub.f32 $1.000000000e+00, v59;
	v60 =	vld [tilespmem:s30+$0x40];
	_ =	sdelay $0x1  }
0x1c3: {  	v3 =	vmax.f32 v3, $-1.000000000e+00  }
0x1c4: {  	v3 =	vmul.f32 $2.551020360e-03, v3  }
0x1c5: {  	v61 =	vadd.f32 v2, v14  }
0x1c6: {  	v3 =	vmul.f32 v60, v3  }
0x1c7: {  	v62 =	vmul.f32 $2.857142980e-01, v61  }
0x1c8: {  	[tilespmem:s31+$0x40] =	vst v3  }
0x1c9: {  	v3 =	vsub.f32 $1.000000000e+00, v62;
	v63 =	vld [tilespmem:s30+$0x50];
	_ =	sdelay $0x1  }
0x1ca: {  	v3 =	vmax.f32 v3, $-1.000000000e+00  }
0x1cb: {  	v3 =	vmul.f32 $2.551020360e-03, v3  }
0x1cc: {  	v2 =	vadd.f32 v2, v16  }
0x1cd: {  	v3 =	vmul.f32 v63, v3  }
0x1ce: {  	v2 =	vmul.f32 $2.857142980e-01, v2  }
0x1cf: {  	[tilespmem:s31+$0x50] =	vst v3  }
0x1d0: {  	v2 =	vsub.f32 $1.000000000e+00, v2;
	v3 =	vld [tilespmem:s30+$0x60];
	_ =	sdelay $0x1  }
0x1d1: {  	v2 =	vmax.f32 v2, $-1.000000000e+00  }
0x1d2: {  	v2 =	vmul.f32 $2.551020360e-03, v2;
	_ =	sdelay $0x1  }
0x1d3: {  	s11 =	sadd.s32 $0x1, s11;
	v2 =	vmul.f32 v3, v2  }
0x1d4: {  	p0 =	sne.s32 s11, s5  }
.Ltmp2:
0x1d5: {  	[tilespmem:s31+$0x60] =	vst v2;
	(pc) =	sbr.rel @p0 .LBB2_1-.Ltmp2, $4  }
0x1d6: {  	[hbm4b:s4+s6] =	stream.strided.scatter [tilespmem:s9], [sflag:$0x2], $0xC40, s7, s6, $0x38;
	[tilespmem:$0x1880] =	vst v63  }
0x1d7: {  	_ =	swait.ge [sflag:s10], $0xC40  }
0x1d8: {  	[sflag:s10] =	ssyncset.done $0x0  }
0x1d9: {  	[sflag:s10] =	ssyncadd.s32 $0xFFFFF3C0  }
0x1da: {  	_ =	sfence.sel $0x180000  }
0x1db: {  	[bflag:$0x0] =	sbarrier.arrive $0xFFFF  }
0x1dc: {  	p0 =	sne.s32 s1, $0x0;
	_ =	strace $0x90000047  }
0x1dd: {  	s0 =	sadd.s32 @!p0 $0x100000, s0;
	[bflag:$0x2] =	sbarrier.arrive $0xFFFF  }
0x1de: {  	[sflag:s0] =	ssyncadd.tile.s32 @!p0 $0x1;
	_ =	shalt  }
.Lfunc_end2:
_tile_overlayer_lowered:
.L_overlay_start_2:
0x1df: {  	(tag) =	ssettag $0x2  }
0x1e0: {  	s0 =	rddreg [dreg:$0x0];
	s2 =	stileid.u32  }
0x1e1: {  	s1 =	rddreg [dreg:$0x1];
	p0 =	sne.s32 s2, $0x0  }
0x1e2: {  	s3 =	rddreg [dreg:$0x2];
	[bflag:$0x3] =	sbarrier.arrive $0xFFFF;
	s2 =	simm.s32 @!p0 $0x1C03  }
0x1e3: {  	[timem:s3], [sflag:s2] =	dma.local @!p0 [hbm:s0], s1  }
0x1e4: {  	s0 =	simm.s32 @!p0 $0x3  }
0x1e5: {  	_ =	swait.ge @!p0 [sflag:s0], s1  }
0x1e6: {  	s1 =	ssub.s32 @!p0 $0x0, s1;
	[sflag:s0] =	ssyncset.done @!p0 $0x0  }
0x1e7: {  	[sflag:s0] =	ssyncadd.s32 @!p0 s1  }
0x1e8: {  	[bflag:$0x3] =	sbarrier.arrive $0xFFFF  }
0x1e9: {  	_ =	shalt  }

</sc_bundles>
